<compile_context>
chip_gen: v7x
topology: tpu7x:2x2x1
jax: 0.10.2.dev20260603
libtpu: 0.0.44.dev20260713+nightly
codegen_flags: <defaults>
</compile_context>

<pallas_src>
import functools

import jax
import jax.numpy as jnp
from jax.experimental import pallas as pl
from jax.experimental.pallas import tpu as pltpu
from jax.experimental.pallas import tpu_sc as plsc

_VOCAB = 8192
_C = 32
_HW = 1024
_B = 32
_NTOK = _B * (_HW + 1)
_BETA = 0.25
_UW = 16



def _argmax_body(class_ref, patch_ref, w_ref,
                 idx_ref, out_class_ref, class_used_ref, class_ssq_ref,
                 wn_ref):
    b = pl.program_id(0)

    @pl.when(b == 0)
    def _init():
        w = w_ref[...]
        norms = jnp.sqrt(jnp.sum(w * w, axis=1, keepdims=True))
        wn_ref[...] = w / jnp.maximum(norms, 1e-12)

    wn = wn_ref[...]

    def select(cols):
        M = cols.shape[1]
        norms = jnp.sqrt(jnp.sum(cols * cols, axis=0, keepdims=True))
        coln = cols / jnp.maximum(norms, 1e-12)
        scores = jax.lax.dot_general(
            wn, coln, (((1,), (0,)), ((), ())),
            preferred_element_type=jnp.float32)
        G, R = 64, 128
        s3 = scores.reshape(G, R, M)
        gmax = jnp.max(s3, axis=1)
        m = jnp.max(gmax, axis=0, keepdims=True)
        iotr = jax.lax.bitcast_convert_type(
            jnp.bitwise_or(
                jax.lax.broadcasted_iota(jnp.int32, (G, R, M), 1),
                jnp.int32(0x4B000000)), jnp.float32)
        localf = jnp.min(
            jnp.where(s3 == gmax[:, None, :], iotr,
                      jnp.float32(8388608.0 + _VOCAB)),
            axis=1)
        goff = (jax.lax.broadcasted_iota(jnp.int32, (G, M), 0)
                * R).astype(jnp.float32)
        cand = jnp.where(gmax == m, localf + goff,
                         jnp.float32(8388608.0 + 2 * _VOCAB))
        idxf = jnp.min(cand, axis=0, keepdims=True)
        idx = jnp.bitwise_and(
            jax.lax.bitcast_convert_type(idxf, jnp.int32),
            jnp.int32(0x007FFFFF))
        return idx

    @pl.when(b == 0)
    def _class():
        cl = class_ref[...].T
        idxc = select(cl)
        iot = jax.lax.broadcasted_iota(jnp.int32, (_VOCAB, _B), 0)
        oh = (iot == idxc).astype(jnp.float32)
        fcT = jax.lax.dot_general(
            w_ref[...], oh, (((0,), (0,)), ((), ())),
            preferred_element_type=jnp.float32,
            precision=jax.lax.Precision.HIGHEST)
        out_class_ref[...] = fcT.T
        class_used_ref[...] = jnp.max(oh, axis=1, keepdims=True)
        d = fcT - cl
        class_ssq_ref[...] = jnp.full((1, 1), jnp.sum(d * d), jnp.float32)

    idx = select(patch_ref[0])
    idx_ref[...] = idx.reshape(8, 128)[None]



def _sc_gather_body(idx2_hbm, w_hbm, zeros_hbm, ones_hbm, rows_hbm, used_hbm,
                    idx2_v, rows_v, zero_v, ones_v, sem):
    c = jax.lax.axis_index("c")
    s = jax.lax.axis_index("s")
    wid = s * 2 + c
    base = wid * _HW
    pltpu.sync_copy(idx2_hbm.at[wid], idx2_v)
    copies = []
    for i in range(8):
        copies.append(pltpu.async_copy(
            w_hbm.at[idx2_v.at[i]],
            rows_v.at[pl.ds(i * 128, 128)], sem))
    for cp in copies:
        cp.wait()
    pltpu.sync_copy(rows_v, rows_hbm.at[pl.ds(base, _HW)])

    pltpu.sync_copy(zeros_hbm, zero_v)
    pltpu.sync_copy(ones_hbm, ones_v)
    pltpu.sync_copy(zero_v, used_hbm.at[c].at[pl.ds(s * 512, 512)])
    plsc.subcore_barrier()
    scats = []
    for i in range(8):
        scats.append(pltpu.async_copy(
            ones_v, used_hbm.at[c].at[idx2_v.at[i]], sem))
    for sc_ in scats:
        sc_.wait()


@functools.cache
def _get_sc_gather():
    mesh = plsc.VectorSubcoreMesh(core_axis_name="c", subcore_axis_name="s")
    return pl.kernel(
        _sc_gather_body, mesh=mesh,
        out_type=[
            jax.ShapeDtypeStruct((_B * _HW, _C), jnp.float32),
            jax.ShapeDtypeStruct((2, _VOCAB, _UW), jnp.float32),
        ],
        scratch_types=[
            pltpu.VMEM((8, 128), jnp.int32),
            pltpu.VMEM((_HW, _C), jnp.float32),
            pltpu.VMEM((512, _UW), jnp.float32),
            pltpu.VMEM((128, _UW), jnp.float32),
            pltpu.SemaphoreType.DMA,
        ],
        compiler_params=pltpu.CompilerParams(use_tc_tiling_on_sc=False),
    )



def _fin_body(fhat_ref, patch_ref, used_sc_ref, class_used_ref, cssq_ref,
              out_ref, loss_ref, usage_ref, ssq_ref):
    b = pl.program_id(0)

    @pl.when(b == 0)
    def _init():
        ssq_ref[0] = cssq_ref[0, 0]

    ft = fhat_ref[0].T
    out_ref[0] = ft
    d = ft - patch_ref[0]
    ssq_ref[0] += jnp.sum(d * d)

    @pl.when(b == pl.num_programs(0) - 1)
    def _fin():
        loss = (1.0 + _BETA) * ssq_ref[0] / (_NTOK * _C)
        loss_ref[...] = jnp.full((1, 1), loss, jnp.float32)
        u = jnp.max(used_sc_ref[...], axis=(0, 2))
        u = jnp.maximum(u[:, None], class_used_ref[...])
        usage_ref[...] = jnp.full((1, 1), jnp.sum(u) * (100.0 / _VOCAB),
                                  jnp.float32)


def kernel(class_tokens, patch_tokens, emb_weight):
    class_tokens = class_tokens.astype(jnp.float32)
    patch_tokens = patch_tokens.astype(jnp.float32)
    B, L, C = class_tokens.shape
    _, _, H, W = patch_tokens.shape
    class_rows = class_tokens.reshape(B * L, C)
    patches = patch_tokens.reshape(B, C, H * W)

    idx3, fhat_class, class_used, cssq = pl.pallas_call(
        _argmax_body,
        grid=(B,),
        in_specs=[
            pl.BlockSpec((B * L, C), lambda b: (0, 0)),
            pl.BlockSpec((1, C, H * W), lambda b: (b, 0, 0)),
            pl.BlockSpec((_VOCAB, C), lambda b: (0, 0)),
        ],
        out_specs=[
            pl.BlockSpec((1, 8, 128), lambda b: (b, 0, 0)),
            pl.BlockSpec((B * L, C), lambda b: (0, 0)),
            pl.BlockSpec((_VOCAB, 1), lambda b: (0, 0)),
            pl.BlockSpec((1, 1), lambda b: (0, 0)),
        ],
        out_shape=(
            jax.ShapeDtypeStruct((B, 8, 128), jnp.int32),
            jax.ShapeDtypeStruct((B * L, C), jnp.float32),
            jax.ShapeDtypeStruct((_VOCAB, 1), jnp.float32),
            jax.ShapeDtypeStruct((1, 1), jnp.float32),
        ),
        scratch_shapes=[
            pltpu.VMEM((_VOCAB, C), jnp.float32),
        ],
        compiler_params=pltpu.CompilerParams(
            dimension_semantics=("arbitrary",),
        ),
    )(class_rows, patches, emb_weight)

    fhat_rows, used_sc = _get_sc_gather()(
        idx3, emb_weight,
        jnp.zeros((512, _UW), jnp.float32), jnp.ones((128, _UW), jnp.float32))

    outp, loss, usage = pl.pallas_call(
        _fin_body,
        grid=(B,),
        in_specs=[
            pl.BlockSpec((1, H * W, C), lambda b: (b, 0, 0)),
            pl.BlockSpec((1, C, H * W), lambda b: (b, 0, 0)),
            pl.BlockSpec((2, _VOCAB, _UW), lambda b: (0, 0, 0)),
            pl.BlockSpec((_VOCAB, 1), lambda b: (0, 0)),
            pl.BlockSpec((1, 1), lambda b: (0, 0)),
        ],
        out_specs=[
            pl.BlockSpec((1, C, H * W), lambda b: (b, 0, 0)),
            pl.BlockSpec((1, 1), lambda b: (0, 0)),
            pl.BlockSpec((1, 1), lambda b: (0, 0)),
        ],
        out_shape=(
            jax.ShapeDtypeStruct((B, C, H * W), jnp.float32),
            jax.ShapeDtypeStruct((1, 1), jnp.float32),
            jax.ShapeDtypeStruct((1, 1), jnp.float32),
        ),
        scratch_shapes=[
            pltpu.SMEM((1,), jnp.float32),
        ],
        compiler_params=pltpu.CompilerParams(
            dimension_semantics=("arbitrary",),
        ),
    )(fhat_rows.reshape(B, H * W, C), patches, used_sc, class_used, cssq)

    fhat_patch = outp.reshape(B, C, H, W)
    return (fhat_class.reshape(B, L, C), fhat_patch, loss[0, 0],
            jnp.float32(0.0), usage[0, 0])

# --- scband reference (transcript-rebuilt; emitter-appended) ---
"""Pipeline reference for scband-vector-quantizer-hybrid-76295799046540 (READ-ONLY COPY).

The authoritative reference and input builder live on the scoring server;
editing this copy changes nothing except your own understanding.
"""

import jax, jax.numpy as jnp
import numpy as np

VOCAB = 8192
BETA = 0.25

def _normalize(x, axis):
    n = jnp.linalg.norm(x, axis=axis, keepdims=True)
    return x / jnp.maximum(n, 1e-12)

def setup_inputs(seed: int = 0) -> dict:
    key = jax.random.key(seed)
    k1, k2, k3 = jax.random.split(key, 3)
    class_tokens = jax.random.normal(k1, (32, 1, 32), dtype=jnp.float32)
    patch_tokens = jax.random.normal(k2, (32, 32, 32, 32), dtype=jnp.float32)
    emb_weight = jax.random.normal(k3, (VOCAB, 32), dtype=jnp.float32) * 0.02
    return {"class_tokens": class_tokens, "patch_tokens": patch_tokens, "emb_weight": emb_weight}

def reference(class_tokens, patch_tokens, emb_weight):
    class_tokens = class_tokens.astype(jnp.float32)
    patch_tokens = patch_tokens.astype(jnp.float32)
    B, L, C = class_tokens.shape
    _, _, H, W = patch_tokens.shape
    pt = patch_tokens.reshape(B, C, H * W).transpose(0, 2, 1)
    NxC = jnp.concatenate([class_tokens, pt], axis=1).reshape(-1, C)
    # vocab_norm=True, using_entropy_loss=False branch
    NxC_ng = jax.lax.stop_gradient(NxC)
    NxC_n = _normalize(NxC_ng, axis=-1)
    W_n = _normalize(emb_weight, axis=-1)  # F.normalize(W.T, dim=0) == row-normalized W
    idx_N = jnp.argmax(NxC_n @ W_n.T, axis=1)
    entropy_loss = jnp.float32(0.0)
    fhat = jnp.take(emb_weight, idx_N, axis=0)
    vq_loss = BETA * jnp.mean((jax.lax.stop_gradient(fhat) - NxC) ** 2) + jnp.mean((fhat - jax.lax.stop_gradient(NxC)) ** 2)
    fhat_st = jax.lax.stop_gradient(fhat - NxC) + NxC
    counts = jnp.bincount(idx_N, minlength=VOCAB, length=VOCAB).astype(jnp.float32)
    prob = counts / counts.sum()
    vocab_usage = (prob > 0.01 / VOCAB).astype(jnp.float32).mean() * 100.0
    fhat_full = fhat_st.reshape(B, -1, C)
    fhat_class = fhat_full[:, :L, :]
    fhat_patch = fhat_full[:, L:, :].reshape(B, H, W, C).transpose(0, 3, 1, 2)
    return (fhat_class, fhat_patch, vq_loss, entropy_loss, vocab_usage)

if __name__ == "__main__":
    import jax
    _d = setup_inputs()
    print(jax.jit(kernel)(*tuple(_d.values())))

</pallas_src>

<mosaic_0001>
#map = affine_map<(d0, d1) -> (0, 0, 0)>
#map1 = affine_map<(d0, d1) -> (0, 0)>
module attributes {stable_mosaic.version = 14 : i64} {
  func.func @_sc_gather_body(%arg0: i32, %arg1: i32, %arg2: memref<32x8x128xi32, #tpu.memory_space<hbm>>, %arg3: memref<8192x32xf32, #tpu.memory_space<hbm>>, %arg4: memref<512x16xf32, #tpu.memory_space<hbm>>, %arg5: memref<128x16xf32, #tpu.memory_space<hbm>>, %arg6: memref<32768x32xf32, #tpu.memory_space<hbm>>, %arg7: memref<2x8192x16xf32, #tpu.memory_space<hbm>>, %arg8: memref<8x128xi32, #tpu.memory_space<vmem>>, %arg9: memref<1024x32xf32, #tpu.memory_space<vmem>>, %arg10: memref<512x16xf32, #tpu.memory_space<vmem>>, %arg11: memref<128x16xf32, #tpu.memory_space<vmem>>, %arg12: memref<!tpu.dma_semaphore, #tpu.memory_space<semaphore_mem>>) attributes {dimension_semantics = [#tpu.dimension_semantics<core_parallel>, #tpu.dimension_semantics<subcore_parallel>], iteration_bounds = array<i64: 2, 16>, scalar_prefetch = 0 : i64, scratch_operands = 5 : i64, tpu.core_type = #tpu.core_type<sc_vector_subcore>, window_params = [{transform_indices = #map}, {transform_indices = #map1}, {transform_indices = #map1}, {transform_indices = #map1}, {transform_indices = #map1}, {transform_indices = #map}]} {
    %mul3A = arith.constant 2 : i32
    %mul3A_0 = arith.muli %arg1, %mul3A : i32
    %add3A = arith.addi %mul3A_0, %arg0 : i32
    %mul3A_1 = arith.constant 1024 : i32
    %mul3A_2 = arith.muli %add3A, %mul3A_1 : i32
    "tpu.region"() ({
      %run_scoped3A = tpu.sem_alloc : memref<!tpu.dma_semaphore, #tpu.memory_space<semaphore_mem>>
      %dma_start3A_339 = arith.constant 0 : i32
      %dma_start3A_340 = arith.constant 0 : i32
      %dma_start3A_341 = tpu.memref_slice %arg2[%add3A, %dma_start3A_339, %dma_start3A_340] : memref<32x8x128xi32, #tpu.memory_space<hbm>> -> memref<1x8x128xi32, #tpu.memory_space<hbm>>
      %dma_start3A_342 = tpu.memref_squeeze %dma_start3A_341 : memref<1x8x128xi32, #tpu.memory_space<hbm>> -> memref<8x128xi32, #tpu.memory_space<hbm>>
      %dma_start3A_343 = arith.constant 0 : i32
      %dma_start3A_344 = arith.constant 0 : i32
      %dma_start3A_345 = tpu.memref_slice %arg2[%add3A, %dma_start3A_343, %dma_start3A_344] : memref<32x8x128xi32, #tpu.memory_space<hbm>> -> memref<1x8x128xi32, #tpu.memory_space<hbm>>
      %dma_start3A_346 = tpu.memref_squeeze %dma_start3A_345 : memref<1x8x128xi32, #tpu.memory_space<hbm>> -> memref<8x128xi32, #tpu.memory_space<hbm>>
      tpu.enqueue_dma source(%dma_start3A_346 : memref<8x128xi32, #tpu.memory_space<hbm>>) target(%arg8 : memref<8x128xi32, #tpu.memory_space<vmem>>) target_semaphore(%run_scoped3A : memref<!tpu.dma_semaphore, #tpu.memory_space<semaphore_mem>>)
      %dma_wait3A_347 = arith.constant 0 : i32
      %dma_wait3A_348 = arith.constant 0 : i32
      %dma_wait3A_349 = tpu.memref_slice %arg2[%add3A, %dma_wait3A_347, %dma_wait3A_348] : memref<32x8x128xi32, #tpu.memory_space<hbm>> -> memref<1x8x128xi32, #tpu.memory_space<hbm>>
      %dma_wait3A_350 = tpu.memref_squeeze %dma_wait3A_349 : memref<1x8x128xi32, #tpu.memory_space<hbm>> -> memref<8x128xi32, #tpu.memory_space<hbm>>
      %dma_wait3A_351 = arith.constant 0 : i32
      %dma_wait3A_352 = arith.constant 0 : i32
      %dma_wait3A_353 = tpu.memref_slice %arg2[%add3A, %dma_wait3A_351, %dma_wait3A_352] : memref<32x8x128xi32, #tpu.memory_space<hbm>> -> memref<1x8x128xi32, #tpu.memory_space<hbm>>
      %dma_wait3A_354 = tpu.memref_squeeze %dma_wait3A_353 : memref<1x8x128xi32, #tpu.memory_space<hbm>> -> memref<8x128xi32, #tpu.memory_space<hbm>>
      tpu.wait_dma2 semaphore(%run_scoped3A : memref<!tpu.dma_semaphore, #tpu.memory_space<semaphore_mem>>) src(%dma_wait3A_354 : memref<8x128xi32, #tpu.memory_space<hbm>>) dst(%arg8 : memref<8x128xi32, #tpu.memory_space<vmem>>)
      tpu.yield
    }) : () -> ()
    %dma_start3A = arith.constant 0 : i32
    %dma_start3A_3 = arith.constant 0 : i32
    %dma_start3A_4 = arith.constant 0 : i32
    %dma_start3A_5 = tpu.memref_slice %arg9[%dma_start3A_3, %dma_start3A_4] : memref<1024x32xf32, #tpu.memory_space<vmem>> -> memref<128x32xf32, #tpu.memory_space<vmem>>
    %dma_start3A_6 = arith.constant 0 : i32
    %dma_start3A_7 = tpu.memref_slice %arg8[%dma_start3A, %dma_start3A_6] : memref<8x128xi32, #tpu.memory_space<vmem>> -> memref<1x128xi32, #tpu.memory_space<vmem>>
    %dma_start3A_8 = tpu.memref_squeeze %dma_start3A_7 : memref<1x128xi32, #tpu.memory_space<vmem>> -> memref<128xi32, #tpu.memory_space<vmem>>
    %dma_start3A_9 = arith.constant 0 : i32
    %dma_start3A_10 = arith.constant 0 : i32
    %dma_start3A_11 = tpu.memref_slice %arg3[%dma_start3A_9, %dma_start3A_10] : memref<8192x32xf32, #tpu.memory_space<hbm>> -> memref<8192x32xf32, #tpu.memory_space<hbm>>
    tpu.enqueue_indirect_dma source(%dma_start3A_11 : memref<8192x32xf32, #tpu.memory_space<hbm>>) target(%dma_start3A_5 : memref<128x32xf32, #tpu.memory_space<vmem>>) offsets(%dma_start3A_8 : memref<128xi32, #tpu.memory_space<vmem>>) semaphore(%arg12 : memref<!tpu.dma_semaphore, #tpu.memory_space<semaphore_mem>>)
    %dma_start3A_12 = arith.constant 1 : i32
    %dma_start3A_13 = arith.constant 128 : i32
    %dma_start3A_14 = arith.constant 0 : i32
    %dma_start3A_15 = tpu.memref_slice %arg9[%dma_start3A_13, %dma_start3A_14] : memref<1024x32xf32, #tpu.memory_space<vmem>> -> memref<128x32xf32, #tpu.memory_space<vmem>>
    %dma_start3A_16 = arith.constant 0 : i32
    %dma_start3A_17 = tpu.memref_slice %arg8[%dma_start3A_12, %dma_start3A_16] : memref<8x128xi32, #tpu.memory_space<vmem>> -> memref<1x128xi32, #tpu.memory_space<vmem>>
    %dma_start3A_18 = tpu.memref_squeeze %dma_start3A_17 : memref<1x128xi32, #tpu.memory_space<vmem>> -> memref<128xi32, #tpu.memory_space<vmem>>
    %dma_start3A_19 = arith.constant 0 : i32
    %dma_start3A_20 = arith.constant 0 : i32
    %dma_start3A_21 = tpu.memref_slice %arg3[%dma_start3A_19, %dma_start3A_20] : memref<8192x32xf32, #tpu.memory_space<hbm>> -> memref<8192x32xf32, #tpu.memory_space<hbm>>
    tpu.enqueue_indirect_dma source(%dma_start3A_21 : memref<8192x32xf32, #tpu.memory_space<hbm>>) target(%dma_start3A_15 : memref<128x32xf32, #tpu.memory_space<vmem>>) offsets(%dma_start3A_18 : memref<128xi32, #tpu.memory_space<vmem>>) semaphore(%arg12 : memref<!tpu.dma_semaphore, #tpu.memory_space<semaphore_mem>>)
    %dma_start3A_22 = arith.constant 2 : i32
    %dma_start3A_23 = arith.constant 256 : i32
    %dma_start3A_24 = arith.constant 0 : i32
    %dma_start3A_25 = tpu.memref_slice %arg9[%dma_start3A_23, %dma_start3A_24] : memref<1024x32xf32, #tpu.memory_space<vmem>> -> memref<128x32xf32, #tpu.memory_space<vmem>>
    %dma_start3A_26 = arith.constant 0 : i32
    %dma_start3A_27 = tpu.memref_slice %arg8[%dma_start3A_22, %dma_start3A_26] : memref<8x128xi32, #tpu.memory_space<vmem>> -> memref<1x128xi32, #tpu.memory_space<vmem>>
    %dma_start3A_28 = tpu.memref_squeeze %dma_start3A_27 : memref<1x128xi32, #tpu.memory_space<vmem>> -> memref<128xi32, #tpu.memory_space<vmem>>
    %dma_start3A_29 = arith.constant 0 : i32
    %dma_start3A_30 = arith.constant 0 : i32
    %dma_start3A_31 = tpu.memref_slice %arg3[%dma_start3A_29, %dma_start3A_30] : memref<8192x32xf32, #tpu.memory_space<hbm>> -> memref<8192x32xf32, #tpu.memory_space<hbm>>
    tpu.enqueue_indirect_dma source(%dma_start3A_31 : memref<8192x32xf32, #tpu.memory_space<hbm>>) target(%dma_start3A_25 : memref<128x32xf32, #tpu.memory_space<vmem>>) offsets(%dma_start3A_28 : memref<128xi32, #tpu.memory_space<vmem>>) semaphore(%arg12 : memref<!tpu.dma_semaphore, #tpu.memory_space<semaphore_mem>>)
    %dma_start3A_32 = arith.constant 3 : i32
    %dma_start3A_33 = arith.constant 384 : i32
    %dma_start3A_34 = arith.constant 0 : i32
    %dma_start3A_35 = tpu.memref_slice %arg9[%dma_start3A_33, %dma_start3A_34] : memref<1024x32xf32, #tpu.memory_space<vmem>> -> memref<128x32xf32, #tpu.memory_space<vmem>>
    %dma_start3A_36 = arith.constant 0 : i32
    %dma_start3A_37 = tpu.memref_slice %arg8[%dma_start3A_32, %dma_start3A_36] : memref<8x128xi32, #tpu.memory_space<vmem>> -> memref<1x128xi32, #tpu.memory_space<vmem>>
    %dma_start3A_38 = tpu.memref_squeeze %dma_start3A_37 : memref<1x128xi32, #tpu.memory_space<vmem>> -> memref<128xi32, #tpu.memory_space<vmem>>
    %dma_start3A_39 = arith.constant 0 : i32
    %dma_start3A_40 = arith.constant 0 : i32
    %dma_start3A_41 = tpu.memref_slice %arg3[%dma_start3A_39, %dma_start3A_40] : memref<8192x32xf32, #tpu.memory_space<hbm>> -> memref<8192x32xf32, #tpu.memory_space<hbm>>
    tpu.enqueue_indirect_dma source(%dma_start3A_41 : memref<8192x32xf32, #tpu.memory_space<hbm>>) target(%dma_start3A_35 : memref<128x32xf32, #tpu.memory_space<vmem>>) offsets(%dma_start3A_38 : memref<128xi32, #tpu.memory_space<vmem>>) semaphore(%arg12 : memref<!tpu.dma_semaphore, #tpu.memory_space<semaphore_mem>>)
    %dma_start3A_42 = arith.constant 4 : i32
    %dma_start3A_43 = arith.constant 512 : i32
    %dma_start3A_44 = arith.constant 0 : i32
    %dma_start3A_45 = tpu.memref_slice %arg9[%dma_start3A_43, %dma_start3A_44] : memref<1024x32xf32, #tpu.memory_space<vmem>> -> memref<128x32xf32, #tpu.memory_space<vmem>>
    %dma_start3A_46 = arith.constant 0 : i32
    %dma_start3A_47 = tpu.memref_slice %arg8[%dma_start3A_42, %dma_start3A_46] : memref<8x128xi32, #tpu.memory_space<vmem>> -> memref<1x128xi32, #tpu.memory_space<vmem>>
    %dma_start3A_48 = tpu.memref_squeeze %dma_start3A_47 : memref<1x128xi32, #tpu.memory_space<vmem>> -> memref<128xi32, #tpu.memory_space<vmem>>
    %dma_start3A_49 = arith.constant 0 : i32
    %dma_start3A_50 = arith.constant 0 : i32
    %dma_start3A_51 = tpu.memref_slice %arg3[%dma_start3A_49, %dma_start3A_50] : memref<8192x32xf32, #tpu.memory_space<hbm>> -> memref<8192x32xf32, #tpu.memory_space<hbm>>
    tpu.enqueue_indirect_dma source(%dma_start3A_51 : memref<8192x32xf32, #tpu.memory_space<hbm>>) target(%dma_start3A_45 : memref<128x32xf32, #tpu.memory_space<vmem>>) offsets(%dma_start3A_48 : memref<128xi32, #tpu.memory_space<vmem>>) semaphore(%arg12 : memref<!tpu.dma_semaphore, #tpu.memory_space<semaphore_mem>>)
    %dma_start3A_52 = arith.constant 5 : i32
    %dma_start3A_53 = arith.constant 640 : i32
    %dma_start3A_54 = arith.constant 0 : i32
    %dma_start3A_55 = tpu.memref_slice %arg9[%dma_start3A_53, %dma_start3A_54] : memref<1024x32xf32, #tpu.memory_space<vmem>> -> memref<128x32xf32, #tpu.memory_space<vmem>>
    %dma_start3A_56 = arith.constant 0 : i32
    %dma_start3A_57 = tpu.memref_slice %arg8[%dma_start3A_52, %dma_start3A_56] : memref<8x128xi32, #tpu.memory_space<vmem>> -> memref<1x128xi32, #tpu.memory_space<vmem>>
    %dma_start3A_58 = tpu.memref_squeeze %dma_start3A_57 : memref<1x128xi32, #tpu.memory_space<vmem>> -> memref<128xi32, #tpu.memory_space<vmem>>
    %dma_start3A_59 = arith.constant 0 : i32
    %dma_start3A_60 = arith.constant 0 : i32
    %dma_start3A_61 = tpu.memref_slice %arg3[%dma_start3A_59, %dma_start3A_60] : memref<8192x32xf32, #tpu.memory_space<hbm>> -> memref<8192x32xf32, #tpu.memory_space<hbm>>
    tpu.enqueue_indirect_dma source(%dma_start3A_61 : memref<8192x32xf32, #tpu.memory_space<hbm>>) target(%dma_start3A_55 : memref<128x32xf32, #tpu.memory_space<vmem>>) offsets(%dma_start3A_58 : memref<128xi32, #tpu.memory_space<vmem>>) semaphore(%arg12 : memref<!tpu.dma_semaphore, #tpu.memory_space<semaphore_mem>>)
    %dma_start3A_62 = arith.constant 6 : i32
    %dma_start3A_63 = arith.constant 768 : i32
    %dma_start3A_64 = arith.constant 0 : i32
    %dma_start3A_65 = tpu.memref_slice %arg9[%dma_start3A_63, %dma_start3A_64] : memref<1024x32xf32, #tpu.memory_space<vmem>> -> memref<128x32xf32, #tpu.memory_space<vmem>>
    %dma_start3A_66 = arith.constant 0 : i32
    %dma_start3A_67 = tpu.memref_slice %arg8[%dma_start3A_62, %dma_start3A_66] : memref<8x128xi32, #tpu.memory_space<vmem>> -> memref<1x128xi32, #tpu.memory_space<vmem>>
    %dma_start3A_68 = tpu.memref_squeeze %dma_start3A_67 : memref<1x128xi32, #tpu.memory_space<vmem>> -> memref<128xi32, #tpu.memory_space<vmem>>
    %dma_start3A_69 = arith.constant 0 : i32
    %dma_start3A_70 = arith.constant 0 : i32
    %dma_start3A_71 = tpu.memref_slice %arg3[%dma_start3A_69, %dma_start3A_70] : memref<8192x32xf32, #tpu.memory_space<hbm>> -> memref<8192x32xf32, #tpu.memory_space<hbm>>
    tpu.enqueue_indirect_dma source(%dma_start3A_71 : memref<8192x32xf32, #tpu.memory_space<hbm>>) target(%dma_start3A_65 : memref<128x32xf32, #tpu.memory_space<vmem>>) offsets(%dma_start3A_68 : memref<128xi32, #tpu.memory_space<vmem>>) semaphore(%arg12 : memref<!tpu.dma_semaphore, #tpu.memory_space<semaphore_mem>>)
    %dma_start3A_72 = arith.constant 7 : i32
    %dma_start3A_73 = arith.constant 896 : i32
    %dma_start3A_74 = arith.constant 0 : i32
    %dma_start3A_75 = tpu.memref_slice %arg9[%dma_start3A_73, %dma_start3A_74] : memref<1024x32xf32, #tpu.memory_space<vmem>> -> memref<128x32xf32, #tpu.memory_space<vmem>>
    %dma_start3A_76 = arith.constant 0 : i32
    %dma_start3A_77 = tpu.memref_slice %arg8[%dma_start3A_72, %dma_start3A_76] : memref<8x128xi32, #tpu.memory_space<vmem>> -> memref<1x128xi32, #tpu.memory_space<vmem>>
    %dma_start3A_78 = tpu.memref_squeeze %dma_start3A_77 : memref<1x128xi32, #tpu.memory_space<vmem>> -> memref<128xi32, #tpu.memory_space<vmem>>
    %dma_start3A_79 = arith.constant 0 : i32
    %dma_start3A_80 = arith.constant 0 : i32
    %dma_start3A_81 = tpu.memref_slice %arg3[%dma_start3A_79, %dma_start3A_80] : memref<8192x32xf32, #tpu.memory_space<hbm>> -> memref<8192x32xf32, #tpu.memory_space<hbm>>
    tpu.enqueue_indirect_dma source(%dma_start3A_81 : memref<8192x32xf32, #tpu.memory_space<hbm>>) target(%dma_start3A_75 : memref<128x32xf32, #tpu.memory_space<vmem>>) offsets(%dma_start3A_78 : memref<128xi32, #tpu.memory_space<vmem>>) semaphore(%arg12 : memref<!tpu.dma_semaphore, #tpu.memory_space<semaphore_mem>>)
    %dma_wait3A = arith.constant 0 : i32
    %dma_wait3A_82 = arith.constant 0 : i32
    %dma_wait3A_83 = arith.constant 0 : i32
    %dma_wait3A_84 = tpu.memref_slice %arg9[%dma_wait3A_82, %dma_wait3A_83] : memref<1024x32xf32, #tpu.memory_space<vmem>> -> memref<128x32xf32, #tpu.memory_space<vmem>>
    %dma_wait3A_85 = arith.constant 0 : i32
    %dma_wait3A_86 = tpu.memref_slice %arg8[%dma_wait3A, %dma_wait3A_85] : memref<8x128xi32, #tpu.memory_space<vmem>> -> memref<1x128xi32, #tpu.memory_space<vmem>>
    %dma_wait3A_87 = tpu.memref_squeeze %dma_wait3A_86 : memref<1x128xi32, #tpu.memory_space<vmem>> -> memref<128xi32, #tpu.memory_space<vmem>>
    %dma_wait3A_88 = arith.constant 0 : i32
    %dma_wait3A_89 = arith.constant 0 : i32
    %dma_wait3A_90 = tpu.memref_slice %arg3[%dma_wait3A_88, %dma_wait3A_89] : memref<8192x32xf32, #tpu.memory_space<hbm>> -> memref<8192x32xf32, #tpu.memory_space<hbm>>
    tpu.wait_indirect_dma semaphore(%arg12 : memref<!tpu.dma_semaphore, #tpu.memory_space<semaphore_mem>>) src(%dma_wait3A_90 : memref<8192x32xf32, #tpu.memory_space<hbm>>) dst(%dma_wait3A_84 : memref<128x32xf32, #tpu.memory_space<vmem>>)
    %dma_wait3A_91 = arith.constant 1 : i32
    %dma_wait3A_92 = arith.constant 128 : i32
    %dma_wait3A_93 = arith.constant 0 : i32
    %dma_wait3A_94 = tpu.memref_slice %arg9[%dma_wait3A_92, %dma_wait3A_93] : memref<1024x32xf32, #tpu.memory_space<vmem>> -> memref<128x32xf32, #tpu.memory_space<vmem>>
    %dma_wait3A_95 = arith.constant 0 : i32
    %dma_wait3A_96 = tpu.memref_slice %arg8[%dma_wait3A_91, %dma_wait3A_95] : memref<8x128xi32, #tpu.memory_space<vmem>> -> memref<1x128xi32, #tpu.memory_space<vmem>>
    %dma_wait3A_97 = tpu.memref_squeeze %dma_wait3A_96 : memref<1x128xi32, #tpu.memory_space<vmem>> -> memref<128xi32, #tpu.memory_space<vmem>>
    %dma_wait3A_98 = arith.constant 0 : i32
    %dma_wait3A_99 = arith.constant 0 : i32
    %dma_wait3A_100 = tpu.memref_slice %arg3[%dma_wait3A_98, %dma_wait3A_99] : memref<8192x32xf32, #tpu.memory_space<hbm>> -> memref<8192x32xf32, #tpu.memory_space<hbm>>
    tpu.wait_indirect_dma semaphore(%arg12 : memref<!tpu.dma_semaphore, #tpu.memory_space<semaphore_mem>>) src(%dma_wait3A_100 : memref<8192x32xf32, #tpu.memory_space<hbm>>) dst(%dma_wait3A_94 : memref<128x32xf32, #tpu.memory_space<vmem>>)
    %dma_wait3A_101 = arith.constant 2 : i32
    %dma_wait3A_102 = arith.constant 256 : i32
    %dma_wait3A_103 = arith.constant 0 : i32
    %dma_wait3A_104 = tpu.memref_slice %arg9[%dma_wait3A_102, %dma_wait3A_103] : memref<1024x32xf32, #tpu.memory_space<vmem>> -> memref<128x32xf32, #tpu.memory_space<vmem>>
    %dma_wait3A_105 = arith.constant 0 : i32
    %dma_wait3A_106 = tpu.memref_slice %arg8[%dma_wait3A_101, %dma_wait3A_105] : memref<8x128xi32, #tpu.memory_space<vmem>> -> memref<1x128xi32, #tpu.memory_space<vmem>>
    %dma_wait3A_107 = tpu.memref_squeeze %dma_wait3A_106 : memref<1x128xi32, #tpu.memory_space<vmem>> -> memref<128xi32, #tpu.memory_space<vmem>>
    %dma_wait3A_108 = arith.constant 0 : i32
    %dma_wait3A_109 = arith.constant 0 : i32
    %dma_wait3A_110 = tpu.memref_slice %arg3[%dma_wait3A_108, %dma_wait3A_109] : memref<8192x32xf32, #tpu.memory_space<hbm>> -> memref<8192x32xf32, #tpu.memory_space<hbm>>
    tpu.wait_indirect_dma semaphore(%arg12 : memref<!tpu.dma_semaphore, #tpu.memory_space<semaphore_mem>>) src(%dma_wait3A_110 : memref<8192x32xf32, #tpu.memory_space<hbm>>) dst(%dma_wait3A_104 : memref<128x32xf32, #tpu.memory_space<vmem>>)
    %dma_wait3A_111 = arith.constant 3 : i32
    %dma_wait3A_112 = arith.constant 384 : i32
    %dma_wait3A_113 = arith.constant 0 : i32
    %dma_wait3A_114 = tpu.memref_slice %arg9[%dma_wait3A_112, %dma_wait3A_113] : memref<1024x32xf32, #tpu.memory_space<vmem>> -> memref<128x32xf32, #tpu.memory_space<vmem>>
    %dma_wait3A_115 = arith.constant 0 : i32
    %dma_wait3A_116 = tpu.memref_slice %arg8[%dma_wait3A_111, %dma_wait3A_115] : memref<8x128xi32, #tpu.memory_space<vmem>> -> memref<1x128xi32, #tpu.memory_space<vmem>>
    %dma_wait3A_117 = tpu.memref_squeeze %dma_wait3A_116 : memref<1x128xi32, #tpu.memory_space<vmem>> -> memref<128xi32, #tpu.memory_space<vmem>>
    %dma_wait3A_118 = arith.constant 0 : i32
    %dma_wait3A_119 = arith.constant 0 : i32
    %dma_wait3A_120 = tpu.memref_slice %arg3[%dma_wait3A_118, %dma_wait3A_119] : memref<8192x32xf32, #tpu.memory_space<hbm>> -> memref<8192x32xf32, #tpu.memory_space<hbm>>
    tpu.wait_indirect_dma semaphore(%arg12 : memref<!tpu.dma_semaphore, #tpu.memory_space<semaphore_mem>>) src(%dma_wait3A_120 : memref<8192x32xf32, #tpu.memory_space<hbm>>) dst(%dma_wait3A_114 : memref<128x32xf32, #tpu.memory_space<vmem>>)
    %dma_wait3A_121 = arith.constant 4 : i32
    %dma_wait3A_122 = arith.constant 512 : i32
    %dma_wait3A_123 = arith.constant 0 : i32
    %dma_wait3A_124 = tpu.memref_slice %arg9[%dma_wait3A_122, %dma_wait3A_123] : memref<1024x32xf32, #tpu.memory_space<vmem>> -> memref<128x32xf32, #tpu.memory_space<vmem>>
    %dma_wait3A_125 = arith.constant 0 : i32
    %dma_wait3A_126 = tpu.memref_slice %arg8[%dma_wait3A_121, %dma_wait3A_125] : memref<8x128xi32, #tpu.memory_space<vmem>> -> memref<1x128xi32, #tpu.memory_space<vmem>>
    %dma_wait3A_127 = tpu.memref_squeeze %dma_wait3A_126 : memref<1x128xi32, #tpu.memory_space<vmem>> -> memref<128xi32, #tpu.memory_space<vmem>>
    %dma_wait3A_128 = arith.constant 0 : i32
    %dma_wait3A_129 = arith.constant 0 : i32
    %dma_wait3A_130 = tpu.memref_slice %arg3[%dma_wait3A_128, %dma_wait3A_129] : memref<8192x32xf32, #tpu.memory_space<hbm>> -> memref<8192x32xf32, #tpu.memory_space<hbm>>
    tpu.wait_indirect_dma semaphore(%arg12 : memref<!tpu.dma_semaphore, #tpu.memory_space<semaphore_mem>>) src(%dma_wait3A_130 : memref<8192x32xf32, #tpu.memory_space<hbm>>) dst(%dma_wait3A_124 : memref<128x32xf32, #tpu.memory_space<vmem>>)
    %dma_wait3A_131 = arith.constant 5 : i32
    %dma_wait3A_132 = arith.constant 640 : i32
    %dma_wait3A_133 = arith.constant 0 : i32
    %dma_wait3A_134 = tpu.memref_slice %arg9[%dma_wait3A_132, %dma_wait3A_133] : memref<1024x32xf32, #tpu.memory_space<vmem>> -> memref<128x32xf32, #tpu.memory_space<vmem>>
    %dma_wait3A_135 = arith.constant 0 : i32
    %dma_wait3A_136 = tpu.memref_slice %arg8[%dma_wait3A_131, %dma_wait3A_135] : memref<8x128xi32, #tpu.memory_space<vmem>> -> memref<1x128xi32, #tpu.memory_space<vmem>>
    %dma_wait3A_137 = tpu.memref_squeeze %dma_wait3A_136 : memref<1x128xi32, #tpu.memory_space<vmem>> -> memref<128xi32, #tpu.memory_space<vmem>>
    %dma_wait3A_138 = arith.constant 0 : i32
    %dma_wait3A_139 = arith.constant 0 : i32
    %dma_wait3A_140 = tpu.memref_slice %arg3[%dma_wait3A_138, %dma_wait3A_139] : memref<8192x32xf32, #tpu.memory_space<hbm>> -> memref<8192x32xf32, #tpu.memory_space<hbm>>
    tpu.wait_indirect_dma semaphore(%arg12 : memref<!tpu.dma_semaphore, #tpu.memory_space<semaphore_mem>>) src(%dma_wait3A_140 : memref<8192x32xf32, #tpu.memory_space<hbm>>) dst(%dma_wait3A_134 : memref<128x32xf32, #tpu.memory_space<vmem>>)
    %dma_wait3A_141 = arith.constant 6 : i32
    %dma_wait3A_142 = arith.constant 768 : i32
    %dma_wait3A_143 = arith.constant 0 : i32
    %dma_wait3A_144 = tpu.memref_slice %arg9[%dma_wait3A_142, %dma_wait3A_143] : memref<1024x32xf32, #tpu.memory_space<vmem>> -> memref<128x32xf32, #tpu.memory_space<vmem>>
    %dma_wait3A_145 = arith.constant 0 : i32
    %dma_wait3A_146 = tpu.memref_slice %arg8[%dma_wait3A_141, %dma_wait3A_145] : memref<8x128xi32, #tpu.memory_space<vmem>> -> memref<1x128xi32, #tpu.memory_space<vmem>>
    %dma_wait3A_147 = tpu.memref_squeeze %dma_wait3A_146 : memref<1x128xi32, #tpu.memory_space<vmem>> -> memref<128xi32, #tpu.memory_space<vmem>>
    %dma_wait3A_148 = arith.constant 0 : i32
    %dma_wait3A_149 = arith.constant 0 : i32
    %dma_wait3A_150 = tpu.memref_slice %arg3[%dma_wait3A_148, %dma_wait3A_149] : memref<8192x32xf32, #tpu.memory_space<hbm>> -> memref<8192x32xf32, #tpu.memory_space<hbm>>
    tpu.wait_indirect_dma semaphore(%arg12 : memref<!tpu.dma_semaphore, #tpu.memory_space<semaphore_mem>>) src(%dma_wait3A_150 : memref<8192x32xf32, #tpu.memory_space<hbm>>) dst(%dma_wait3A_144 : memref<128x32xf32, #tpu.memory_space<vmem>>)
    %dma_wait3A_151 = arith.constant 7 : i32
    %dma_wait3A_152 = arith.constant 896 : i32
    %dma_wait3A_153 = arith.constant 0 : i32
    %dma_wait3A_154 = tpu.memref_slice %arg9[%dma_wait3A_152, %dma_wait3A_153] : memref<1024x32xf32, #tpu.memory_space<vmem>> -> memref<128x32xf32, #tpu.memory_space<vmem>>
    %dma_wait3A_155 = arith.constant 0 : i32
    %dma_wait3A_156 = tpu.memref_slice %arg8[%dma_wait3A_151, %dma_wait3A_155] : memref<8x128xi32, #tpu.memory_space<vmem>> -> memref<1x128xi32, #tpu.memory_space<vmem>>
    %dma_wait3A_157 = tpu.memref_squeeze %dma_wait3A_156 : memref<1x128xi32, #tpu.memory_space<vmem>> -> memref<128xi32, #tpu.memory_space<vmem>>
    %dma_wait3A_158 = arith.constant 0 : i32
    %dma_wait3A_159 = arith.constant 0 : i32
    %dma_wait3A_160 = tpu.memref_slice %arg3[%dma_wait3A_158, %dma_wait3A_159] : memref<8192x32xf32, #tpu.memory_space<hbm>> -> memref<8192x32xf32, #tpu.memory_space<hbm>>
    tpu.wait_indirect_dma semaphore(%arg12 : memref<!tpu.dma_semaphore, #tpu.memory_space<semaphore_mem>>) src(%dma_wait3A_160 : memref<8192x32xf32, #tpu.memory_space<hbm>>) dst(%dma_wait3A_154 : memref<128x32xf32, #tpu.memory_space<vmem>>)
    "tpu.region"() ({
      %run_scoped3A = tpu.sem_alloc : memref<!tpu.dma_semaphore, #tpu.memory_space<semaphore_mem>>
      %dma_start3A_339 = arith.constant 0 : i32
      %dma_start3A_340 = tpu.memref_slice %arg6[%mul3A_2, %dma_start3A_339] : memref<32768x32xf32, #tpu.memory_space<hbm>> -> memref<1024x32xf32, #tpu.memory_space<hbm>>
      %dma_start3A_341 = arith.constant 0 : i32
      %dma_start3A_342 = tpu.memref_slice %arg6[%mul3A_2, %dma_start3A_341] : memref<32768x32xf32, #tpu.memory_space<hbm>> -> memref<1024x32xf32, #tpu.memory_space<hbm>>
      tpu.enqueue_dma source(%arg9 : memref<1024x32xf32, #tpu.memory_space<vmem>>) target(%dma_start3A_342 : memref<1024x32xf32, #tpu.memory_space<hbm>>) target_semaphore(%run_scoped3A : memref<!tpu.dma_semaphore, #tpu.memory_space<semaphore_mem>>)
      %dma_wait3A_343 = arith.constant 0 : i32
      %dma_wait3A_344 = tpu.memref_slice %arg6[%mul3A_2, %dma_wait3A_343] : memref<32768x32xf32, #tpu.memory_space<hbm>> -> memref<1024x32xf32, #tpu.memory_space<hbm>>
      %dma_wait3A_345 = arith.constant 0 : i32
      %dma_wait3A_346 = tpu.memref_slice %arg6[%mul3A_2, %dma_wait3A_345] : memref<32768x32xf32, #tpu.memory_space<hbm>> -> memref<1024x32xf32, #tpu.memory_space<hbm>>
      tpu.wait_dma2 semaphore(%run_scoped3A : memref<!tpu.dma_semaphore, #tpu.memory_space<semaphore_mem>>) src(%arg9 : memref<1024x32xf32, #tpu.memory_space<vmem>>) dst(%dma_wait3A_346 : memref<1024x32xf32, #tpu.memory_space<hbm>>)
      tpu.yield
    }) : () -> ()
    "tpu.region"() ({
      %run_scoped3A = tpu.sem_alloc : memref<!tpu.dma_semaphore, #tpu.memory_space<semaphore_mem>>
      tpu.enqueue_dma source(%arg4 : memref<512x16xf32, #tpu.memory_space<hbm>>) target(%arg10 : memref<512x16xf32, #tpu.memory_space<vmem>>) target_semaphore(%run_scoped3A : memref<!tpu.dma_semaphore, #tpu.memory_space<semaphore_mem>>)
      tpu.wait_dma2 semaphore(%run_scoped3A : memref<!tpu.dma_semaphore, #tpu.memory_space<semaphore_mem>>) src(%arg4 : memref<512x16xf32, #tpu.memory_space<hbm>>) dst(%arg10 : memref<512x16xf32, #tpu.memory_space<vmem>>)
      tpu.yield
    }) : () -> ()
    "tpu.region"() ({
      %run_scoped3A = tpu.sem_alloc : memref<!tpu.dma_semaphore, #tpu.memory_space<semaphore_mem>>
      tpu.enqueue_dma source(%arg5 : memref<128x16xf32, #tpu.memory_space<hbm>>) target(%arg11 : memref<128x16xf32, #tpu.memory_space<vmem>>) target_semaphore(%run_scoped3A : memref<!tpu.dma_semaphore, #tpu.memory_space<semaphore_mem>>)
      tpu.wait_dma2 semaphore(%run_scoped3A : memref<!tpu.dma_semaphore, #tpu.memory_space<semaphore_mem>>) src(%arg5 : memref<128x16xf32, #tpu.memory_space<hbm>>) dst(%arg11 : memref<128x16xf32, #tpu.memory_space<vmem>>)
      tpu.yield
    }) : () -> ()
    %mul3A_161 = arith.constant 512 : i32
    %mul3A_162 = arith.muli %arg1, %mul3A_161 : i32
    "tpu.region"() ({
      %run_scoped3A = tpu.sem_alloc : memref<!tpu.dma_semaphore, #tpu.memory_space<semaphore_mem>>
      %dma_start3A_339 = arith.constant 0 : i32
      %dma_start3A_340 = arith.constant 0 : i32
      %dma_start3A_341 = tpu.memref_slice %arg7[%arg0, %dma_start3A_339, %dma_start3A_340] : memref<2x8192x16xf32, #tpu.memory_space<hbm>> -> memref<1x8192x16xf32, #tpu.memory_space<hbm>>
      %dma_start3A_342 = tpu.memref_squeeze %dma_start3A_341 : memref<1x8192x16xf32, #tpu.memory_space<hbm>> -> memref<8192x16xf32, #tpu.memory_space<hbm>>
      %dma_start3A_343 = arith.constant 0 : i32
      %dma_start3A_344 = tpu.memref_slice %dma_start3A_342[%mul3A_162, %dma_start3A_343] : memref<8192x16xf32, #tpu.memory_space<hbm>> -> memref<512x16xf32, #tpu.memory_space<hbm>>
      %dma_start3A_345 = arith.constant 0 : i32
      %dma_start3A_346 = arith.constant 0 : i32
      %dma_start3A_347 = tpu.memref_slice %arg7[%arg0, %dma_start3A_345, %dma_start3A_346] : memref<2x8192x16xf32, #tpu.memory_space<hbm>> -> memref<1x8192x16xf32, #tpu.memory_space<hbm>>
      %dma_start3A_348 = tpu.memref_squeeze %dma_start3A_347 : memref<1x8192x16xf32, #tpu.memory_space<hbm>> -> memref<8192x16xf32, #tpu.memory_space<hbm>>
      %dma_start3A_349 = arith.constant 0 : i32
      %dma_start3A_350 = tpu.memref_slice %dma_start3A_348[%mul3A_162, %dma_start3A_349] : memref<8192x16xf32, #tpu.memory_space<hbm>> -> memref<512x16xf32, #tpu.memory_space<hbm>>
      tpu.enqueue_dma source(%arg10 : memref<512x16xf32, #tpu.memory_space<vmem>>) target(%dma_start3A_350 : memref<512x16xf32, #tpu.memory_space<hbm>>) target_semaphore(%run_scoped3A : memref<!tpu.dma_semaphore, #tpu.memory_space<semaphore_mem>>)
      %dma_wait3A_351 = arith.constant 0 : i32
      %dma_wait3A_352 = arith.constant 0 : i32
      %dma_wait3A_353 = tpu.memref_slice %arg7[%arg0, %dma_wait3A_351, %dma_wait3A_352] : memref<2x8192x16xf32, #tpu.memory_space<hbm>> -> memref<1x8192x16xf32, #tpu.memory_space<hbm>>
      %dma_wait3A_354 = tpu.memref_squeeze %dma_wait3A_353 : memref<1x8192x16xf32, #tpu.memory_space<hbm>> -> memref<8192x16xf32, #tpu.memory_space<hbm>>
      %dma_wait3A_355 = arith.constant 0 : i32
      %dma_wait3A_356 = tpu.memref_slice %dma_wait3A_354[%mul3A_162, %dma_wait3A_355] : memref<8192x16xf32, #tpu.memory_space<hbm>> -> memref<512x16xf32, #tpu.memory_space<hbm>>
      %dma_wait3A_357 = arith.constant 0 : i32
      %dma_wait3A_358 = arith.constant 0 : i32
      %dma_wait3A_359 = tpu.memref_slice %arg7[%arg0, %dma_wait3A_357, %dma_wait3A_358] : memref<2x8192x16xf32, #tpu.memory_space<hbm>> -> memref<1x8192x16xf32, #tpu.memory_space<hbm>>
      %dma_wait3A_360 = tpu.memref_squeeze %dma_wait3A_359 : memref<1x8192x16xf32, #tpu.memory_space<hbm>> -> memref<8192x16xf32, #tpu.memory_space<hbm>>
      %dma_wait3A_361 = arith.constant 0 : i32
      %dma_wait3A_362 = tpu.memref_slice %dma_wait3A_360[%mul3A_162, %dma_wait3A_361] : memref<8192x16xf32, #tpu.memory_space<hbm>> -> memref<512x16xf32, #tpu.memory_space<hbm>>
      tpu.wait_dma2 semaphore(%run_scoped3A : memref<!tpu.dma_semaphore, #tpu.memory_space<semaphore_mem>>) src(%arg10 : memref<512x16xf32, #tpu.memory_space<vmem>>) dst(%dma_wait3A_362 : memref<512x16xf32, #tpu.memory_space<hbm>>)
      tpu.yield
    }) : () -> ()
    %barrier3A = arith.constant 0 : index
    tpu.barrier barrier_id(%barrier3A)
    %dma_start3A_163 = arith.constant 0 : i32
    %dma_start3A_164 = arith.constant 0 : i32
    %dma_start3A_165 = tpu.memref_slice %arg8[%dma_start3A_163, %dma_start3A_164] : memref<8x128xi32, #tpu.memory_space<vmem>> -> memref<1x128xi32, #tpu.memory_space<vmem>>
    %dma_start3A_166 = tpu.memref_squeeze %dma_start3A_165 : memref<1x128xi32, #tpu.memory_space<vmem>> -> memref<128xi32, #tpu.memory_space<vmem>>
    %dma_start3A_167 = arith.constant 0 : i32
    %dma_start3A_168 = arith.constant 0 : i32
    %dma_start3A_169 = tpu.memref_slice %arg7[%arg0, %dma_start3A_167, %dma_start3A_168] : memref<2x8192x16xf32, #tpu.memory_space<hbm>> -> memref<1x8192x16xf32, #tpu.memory_space<hbm>>
    %dma_start3A_170 = tpu.memref_squeeze %dma_start3A_169 : memref<1x8192x16xf32, #tpu.memory_space<hbm>> -> memref<8192x16xf32, #tpu.memory_space<hbm>>
    %dma_start3A_171 = arith.constant 0 : i32
    %dma_start3A_172 = arith.constant 0 : i32
    %dma_start3A_173 = tpu.memref_slice %dma_start3A_170[%dma_start3A_171, %dma_start3A_172] : memref<8192x16xf32, #tpu.memory_space<hbm>> -> memref<8192x16xf32, #tpu.memory_space<hbm>>
    tpu.enqueue_indirect_dma source(%arg11 : memref<128x16xf32, #tpu.memory_space<vmem>>) target(%dma_start3A_173 : memref<8192x16xf32, #tpu.memory_space<hbm>>) offsets(%dma_start3A_166 : memref<128xi32, #tpu.memory_space<vmem>>) semaphore(%arg12 : memref<!tpu.dma_semaphore, #tpu.memory_space<semaphore_mem>>)
    %dma_start3A_174 = arith.constant 1 : i32
    %dma_start3A_175 = arith.constant 0 : i32
    %dma_start3A_176 = tpu.memref_slice %arg8[%dma_start3A_174, %dma_start3A_175] : memref<8x128xi32, #tpu.memory_space<vmem>> -> memref<1x128xi32, #tpu.memory_space<vmem>>
    %dma_start3A_177 = tpu.memref_squeeze %dma_start3A_176 : memref<1x128xi32, #tpu.memory_space<vmem>> -> memref<128xi32, #tpu.memory_space<vmem>>
    %dma_start3A_178 = arith.constant 0 : i32
    %dma_start3A_179 = arith.constant 0 : i32
    %dma_start3A_180 = tpu.memref_slice %arg7[%arg0, %dma_start3A_178, %dma_start3A_179] : memref<2x8192x16xf32, #tpu.memory_space<hbm>> -> memref<1x8192x16xf32, #tpu.memory_space<hbm>>
    %dma_start3A_181 = tpu.memref_squeeze %dma_start3A_180 : memref<1x8192x16xf32, #tpu.memory_space<hbm>> -> memref<8192x16xf32, #tpu.memory_space<hbm>>
    %dma_start3A_182 = arith.constant 0 : i32
    %dma_start3A_183 = arith.constant 0 : i32
    %dma_start3A_184 = tpu.memref_slice %dma_start3A_181[%dma_start3A_182, %dma_start3A_183] : memref<8192x16xf32, #tpu.memory_space<hbm>> -> memref<8192x16xf32, #tpu.memory_space<hbm>>
    tpu.enqueue_indirect_dma source(%arg11 : memref<128x16xf32, #tpu.memory_space<vmem>>) target(%dma_start3A_184 : memref<8192x16xf32, #tpu.memory_space<hbm>>) offsets(%dma_start3A_177 : memref<128xi32, #tpu.memory_space<vmem>>) semaphore(%arg12 : memref<!tpu.dma_semaphore, #tpu.memory_space<semaphore_mem>>)
    %dma_start3A_185 = arith.constant 2 : i32
    %dma_start3A_186 = arith.constant 0 : i32
    %dma_start3A_187 = tpu.memref_slice %arg8[%dma_start3A_185, %dma_start3A_186] : memref<8x128xi32, #tpu.memory_space<vmem>> -> memref<1x128xi32, #tpu.memory_space<vmem>>
    %dma_start3A_188 = tpu.memref_squeeze %dma_start3A_187 : memref<1x128xi32, #tpu.memory_space<vmem>> -> memref<128xi32, #tpu.memory_space<vmem>>
    %dma_start3A_189 = arith.constant 0 : i32
    %dma_start3A_190 = arith.constant 0 : i32
    %dma_start3A_191 = tpu.memref_slice %arg7[%arg0, %dma_start3A_189, %dma_start3A_190] : memref<2x8192x16xf32, #tpu.memory_space<hbm>> -> memref<1x8192x16xf32, #tpu.memory_space<hbm>>
    %dma_start3A_192 = tpu.memref_squeeze %dma_start3A_191 : memref<1x8192x16xf32, #tpu.memory_space<hbm>> -> memref<8192x16xf32, #tpu.memory_space<hbm>>
    %dma_start3A_193 = arith.constant 0 : i32
    %dma_start3A_194 = arith.constant 0 : i32
    %dma_start3A_195 = tpu.memref_slice %dma_start3A_192[%dma_start3A_193, %dma_start3A_194] : memref<8192x16xf32, #tpu.memory_space<hbm>> -> memref<8192x16xf32, #tpu.memory_space<hbm>>
    tpu.enqueue_indirect_dma source(%arg11 : memref<128x16xf32, #tpu.memory_space<vmem>>) target(%dma_start3A_195 : memref<8192x16xf32, #tpu.memory_space<hbm>>) offsets(%dma_start3A_188 : memref<128xi32, #tpu.memory_space<vmem>>) semaphore(%arg12 : memref<!tpu.dma_semaphore, #tpu.memory_space<semaphore_mem>>)
    %dma_start3A_196 = arith.constant 3 : i32
    %dma_start3A_197 = arith.constant 0 : i32
    %dma_start3A_198 = tpu.memref_slice %arg8[%dma_start3A_196, %dma_start3A_197] : memref<8x128xi32, #tpu.memory_space<vmem>> -> memref<1x128xi32, #tpu.memory_space<vmem>>
    %dma_start3A_199 = tpu.memref_squeeze %dma_start3A_198 : memref<1x128xi32, #tpu.memory_space<vmem>> -> memref<128xi32, #tpu.memory_space<vmem>>
    %dma_start3A_200 = arith.constant 0 : i32
    %dma_start3A_201 = arith.constant 0 : i32
    %dma_start3A_202 = tpu.memref_slice %arg7[%arg0, %dma_start3A_200, %dma_start3A_201] : memref<2x8192x16xf32, #tpu.memory_space<hbm>> -> memref<1x8192x16xf32, #tpu.memory_space<hbm>>
    %dma_start3A_203 = tpu.memref_squeeze %dma_start3A_202 : memref<1x8192x16xf32, #tpu.memory_space<hbm>> -> memref<8192x16xf32, #tpu.memory_space<hbm>>
    %dma_start3A_204 = arith.constant 0 : i32
    %dma_start3A_205 = arith.constant 0 : i32
    %dma_start3A_206 = tpu.memref_slice %dma_start3A_203[%dma_start3A_204, %dma_start3A_205] : memref<8192x16xf32, #tpu.memory_space<hbm>> -> memref<8192x16xf32, #tpu.memory_space<hbm>>
    tpu.enqueue_indirect_dma source(%arg11 : memref<128x16xf32, #tpu.memory_space<vmem>>) target(%dma_start3A_206 : memref<8192x16xf32, #tpu.memory_space<hbm>>) offsets(%dma_start3A_199 : memref<128xi32, #tpu.memory_space<vmem>>) semaphore(%arg12 : memref<!tpu.dma_semaphore, #tpu.memory_space<semaphore_mem>>)
    %dma_start3A_207 = arith.constant 4 : i32
    %dma_start3A_208 = arith.constant 0 : i32
    %dma_start3A_209 = tpu.memref_slice %arg8[%dma_start3A_207, %dma_start3A_208] : memref<8x128xi32, #tpu.memory_space<vmem>> -> memref<1x128xi32, #tpu.memory_space<vmem>>
    %dma_start3A_210 = tpu.memref_squeeze %dma_start3A_209 : memref<1x128xi32, #tpu.memory_space<vmem>> -> memref<128xi32, #tpu.memory_space<vmem>>
    %dma_start3A_211 = arith.constant 0 : i32
    %dma_start3A_212 = arith.constant 0 : i32
    %dma_start3A_213 = tpu.memref_slice %arg7[%arg0, %dma_start3A_211, %dma_start3A_212] : memref<2x8192x16xf32, #tpu.memory_space<hbm>> -> memref<1x8192x16xf32, #tpu.memory_space<hbm>>
    %dma_start3A_214 = tpu.memref_squeeze %dma_start3A_213 : memref<1x8192x16xf32, #tpu.memory_space<hbm>> -> memref<8192x16xf32, #tpu.memory_space<hbm>>
    %dma_start3A_215 = arith.constant 0 : i32
    %dma_start3A_216 = arith.constant 0 : i32
    %dma_start3A_217 = tpu.memref_slice %dma_start3A_214[%dma_start3A_215, %dma_start3A_216] : memref<8192x16xf32, #tpu.memory_space<hbm>> -> memref<8192x16xf32, #tpu.memory_space<hbm>>
    tpu.enqueue_indirect_dma source(%arg11 : memref<128x16xf32, #tpu.memory_space<vmem>>) target(%dma_start3A_217 : memref<8192x16xf32, #tpu.memory_space<hbm>>) offsets(%dma_start3A_210 : memref<128xi32, #tpu.memory_space<vmem>>) semaphore(%arg12 : memref<!tpu.dma_semaphore, #tpu.memory_space<semaphore_mem>>)
    %dma_start3A_218 = arith.constant 5 : i32
    %dma_start3A_219 = arith.constant 0 : i32
    %dma_start3A_220 = tpu.memref_slice %arg8[%dma_start3A_218, %dma_start3A_219] : memref<8x128xi32, #tpu.memory_space<vmem>> -> memref<1x128xi32, #tpu.memory_space<vmem>>
    %dma_start3A_221 = tpu.memref_squeeze %dma_start3A_220 : memref<1x128xi32, #tpu.memory_space<vmem>> -> memref<128xi32, #tpu.memory_space<vmem>>
    %dma_start3A_222 = arith.constant 0 : i32
    %dma_start3A_223 = arith.constant 0 : i32
    %dma_start3A_224 = tpu.memref_slice %arg7[%arg0, %dma_start3A_222, %dma_start3A_223] : memref<2x8192x16xf32, #tpu.memory_space<hbm>> -> memref<1x8192x16xf32, #tpu.memory_space<hbm>>
    %dma_start3A_225 = tpu.memref_squeeze %dma_start3A_224 : memref<1x8192x16xf32, #tpu.memory_space<hbm>> -> memref<8192x16xf32, #tpu.memory_space<hbm>>
    %dma_start3A_226 = arith.constant 0 : i32
    %dma_start3A_227 = arith.constant 0 : i32
    %dma_start3A_228 = tpu.memref_slice %dma_start3A_225[%dma_start3A_226, %dma_start3A_227] : memref<8192x16xf32, #tpu.memory_space<hbm>> -> memref<8192x16xf32, #tpu.memory_space<hbm>>
    tpu.enqueue_indirect_dma source(%arg11 : memref<128x16xf32, #tpu.memory_space<vmem>>) target(%dma_start3A_228 : memref<8192x16xf32, #tpu.memory_space<hbm>>) offsets(%dma_start3A_221 : memref<128xi32, #tpu.memory_space<vmem>>) semaphore(%arg12 : memref<!tpu.dma_semaphore, #tpu.memory_space<semaphore_mem>>)
    %dma_start3A_229 = arith.constant 6 : i32
    %dma_start3A_230 = arith.constant 0 : i32
    %dma_start3A_231 = tpu.memref_slice %arg8[%dma_start3A_229, %dma_start3A_230] : memref<8x128xi32, #tpu.memory_space<vmem>> -> memref<1x128xi32, #tpu.memory_space<vmem>>
    %dma_start3A_232 = tpu.memref_squeeze %dma_start3A_231 : memref<1x128xi32, #tpu.memory_space<vmem>> -> memref<128xi32, #tpu.memory_space<vmem>>
    %dma_start3A_233 = arith.constant 0 : i32
    %dma_start3A_234 = arith.constant 0 : i32
    %dma_start3A_235 = tpu.memref_slice %arg7[%arg0, %dma_start3A_233, %dma_start3A_234] : memref<2x8192x16xf32, #tpu.memory_space<hbm>> -> memref<1x8192x16xf32, #tpu.memory_space<hbm>>
    %dma_start3A_236 = tpu.memref_squeeze %dma_start3A_235 : memref<1x8192x16xf32, #tpu.memory_space<hbm>> -> memref<8192x16xf32, #tpu.memory_space<hbm>>
    %dma_start3A_237 = arith.constant 0 : i32
    %dma_start3A_238 = arith.constant 0 : i32
    %dma_start3A_239 = tpu.memref_slice %dma_start3A_236[%dma_start3A_237, %dma_start3A_238] : memref<8192x16xf32, #tpu.memory_space<hbm>> -> memref<8192x16xf32, #tpu.memory_space<hbm>>
    tpu.enqueue_indirect_dma source(%arg11 : memref<128x16xf32, #tpu.memory_space<vmem>>) target(%dma_start3A_239 : memref<8192x16xf32, #tpu.memory_space<hbm>>) offsets(%dma_start3A_232 : memref<128xi32, #tpu.memory_space<vmem>>) semaphore(%arg12 : memref<!tpu.dma_semaphore, #tpu.memory_space<semaphore_mem>>)
    %dma_start3A_240 = arith.constant 7 : i32
    %dma_start3A_241 = arith.constant 0 : i32
    %dma_start3A_242 = tpu.memref_slice %arg8[%dma_start3A_240, %dma_start3A_241] : memref<8x128xi32, #tpu.memory_space<vmem>> -> memref<1x128xi32, #tpu.memory_space<vmem>>
    %dma_start3A_243 = tpu.memref_squeeze %dma_start3A_242 : memref<1x128xi32, #tpu.memory_space<vmem>> -> memref<128xi32, #tpu.memory_space<vmem>>
    %dma_start3A_244 = arith.constant 0 : i32
    %dma_start3A_245 = arith.constant 0 : i32
    %dma_start3A_246 = tpu.memref_slice %arg7[%arg0, %dma_start3A_244, %dma_start3A_245] : memref<2x8192x16xf32, #tpu.memory_space<hbm>> -> memref<1x8192x16xf32, #tpu.memory_space<hbm>>
    %dma_start3A_247 = tpu.memref_squeeze %dma_start3A_246 : memref<1x8192x16xf32, #tpu.memory_space<hbm>> -> memref<8192x16xf32, #tpu.memory_space<hbm>>
    %dma_start3A_248 = arith.constant 0 : i32
    %dma_start3A_249 = arith.constant 0 : i32
    %dma_start3A_250 = tpu.memref_slice %dma_start3A_247[%dma_start3A_248, %dma_start3A_249] : memref<8192x16xf32, #tpu.memory_space<hbm>> -> memref<8192x16xf32, #tpu.memory_space<hbm>>
    tpu.enqueue_indirect_dma source(%arg11 : memref<128x16xf32, #tpu.memory_space<vmem>>) target(%dma_start3A_250 : memref<8192x16xf32, #tpu.memory_space<hbm>>) offsets(%dma_start3A_243 : memref<128xi32, #tpu.memory_space<vmem>>) semaphore(%arg12 : memref<!tpu.dma_semaphore, #tpu.memory_space<semaphore_mem>>)
    %dma_wait3A_251 = arith.constant 0 : i32
    %dma_wait3A_252 = arith.constant 0 : i32
    %dma_wait3A_253 = tpu.memref_slice %arg8[%dma_wait3A_251, %dma_wait3A_252] : memref<8x128xi32, #tpu.memory_space<vmem>> -> memref<1x128xi32, #tpu.memory_space<vmem>>
    %dma_wait3A_254 = tpu.memref_squeeze %dma_wait3A_253 : memref<1x128xi32, #tpu.memory_space<vmem>> -> memref<128xi32, #tpu.memory_space<vmem>>
    %dma_wait3A_255 = arith.constant 0 : i32
    %dma_wait3A_256 = arith.constant 0 : i32
    %dma_wait3A_257 = tpu.memref_slice %arg7[%arg0, %dma_wait3A_255, %dma_wait3A_256] : memref<2x8192x16xf32, #tpu.memory_space<hbm>> -> memref<1x8192x16xf32, #tpu.memory_space<hbm>>
    %dma_wait3A_258 = tpu.memref_squeeze %dma_wait3A_257 : memref<1x8192x16xf32, #tpu.memory_space<hbm>> -> memref<8192x16xf32, #tpu.memory_space<hbm>>
    %dma_wait3A_259 = arith.constant 0 : i32
    %dma_wait3A_260 = arith.constant 0 : i32
    %dma_wait3A_261 = tpu.memref_slice %dma_wait3A_258[%dma_wait3A_259, %dma_wait3A_260] : memref<8192x16xf32, #tpu.memory_space<hbm>> -> memref<8192x16xf32, #tpu.memory_space<hbm>>
    tpu.wait_indirect_dma semaphore(%arg12 : memref<!tpu.dma_semaphore, #tpu.memory_space<semaphore_mem>>) src(%arg11 : memref<128x16xf32, #tpu.memory_space<vmem>>) dst(%dma_wait3A_261 : memref<8192x16xf32, #tpu.memory_space<hbm>>)
    %dma_wait3A_262 = arith.constant 1 : i32
    %dma_wait3A_263 = arith.constant 0 : i32
    %dma_wait3A_264 = tpu.memref_slice %arg8[%dma_wait3A_262, %dma_wait3A_263] : memref<8x128xi32, #tpu.memory_space<vmem>> -> memref<1x128xi32, #tpu.memory_space<vmem>>
    %dma_wait3A_265 = tpu.memref_squeeze %dma_wait3A_264 : memref<1x128xi32, #tpu.memory_space<vmem>> -> memref<128xi32, #tpu.memory_space<vmem>>
    %dma_wait3A_266 = arith.constant 0 : i32
    %dma_wait3A_267 = arith.constant 0 : i32
    %dma_wait3A_268 = tpu.memref_slice %arg7[%arg0, %dma_wait3A_266, %dma_wait3A_267] : memref<2x8192x16xf32, #tpu.memory_space<hbm>> -> memref<1x8192x16xf32, #tpu.memory_space<hbm>>
    %dma_wait3A_269 = tpu.memref_squeeze %dma_wait3A_268 : memref<1x8192x16xf32, #tpu.memory_space<hbm>> -> memref<8192x16xf32, #tpu.memory_space<hbm>>
    %dma_wait3A_270 = arith.constant 0 : i32
    %dma_wait3A_271 = arith.constant 0 : i32
    %dma_wait3A_272 = tpu.memref_slice %dma_wait3A_269[%dma_wait3A_270, %dma_wait3A_271] : memref<8192x16xf32, #tpu.memory_space<hbm>> -> memref<8192x16xf32, #tpu.memory_space<hbm>>
    tpu.wait_indirect_dma semaphore(%arg12 : memref<!tpu.dma_semaphore, #tpu.memory_space<semaphore_mem>>) src(%arg11 : memref<128x16xf32, #tpu.memory_space<vmem>>) dst(%dma_wait3A_272 : memref<8192x16xf32, #tpu.memory_space<hbm>>)
    %dma_wait3A_273 = arith.constant 2 : i32
    %dma_wait3A_274 = arith.constant 0 : i32
    %dma_wait3A_275 = tpu.memref_slice %arg8[%dma_wait3A_273, %dma_wait3A_274] : memref<8x128xi32, #tpu.memory_space<vmem>> -> memref<1x128xi32, #tpu.memory_space<vmem>>
    %dma_wait3A_276 = tpu.memref_squeeze %dma_wait3A_275 : memref<1x128xi32, #tpu.memory_space<vmem>> -> memref<128xi32, #tpu.memory_space<vmem>>
    %dma_wait3A_277 = arith.constant 0 : i32
    %dma_wait3A_278 = arith.constant 0 : i32
    %dma_wait3A_279 = tpu.memref_slice %arg7[%arg0, %dma_wait3A_277, %dma_wait3A_278] : memref<2x8192x16xf32, #tpu.memory_space<hbm>> -> memref<1x8192x16xf32, #tpu.memory_space<hbm>>
    %dma_wait3A_280 = tpu.memref_squeeze %dma_wait3A_279 : memref<1x8192x16xf32, #tpu.memory_space<hbm>> -> memref<8192x16xf32, #tpu.memory_space<hbm>>
    %dma_wait3A_281 = arith.constant 0 : i32
    %dma_wait3A_282 = arith.constant 0 : i32
    %dma_wait3A_283 = tpu.memref_slice %dma_wait3A_280[%dma_wait3A_281, %dma_wait3A_282] : memref<8192x16xf32, #tpu.memory_space<hbm>> -> memref<8192x16xf32, #tpu.memory_space<hbm>>
    tpu.wait_indirect_dma semaphore(%arg12 : memref<!tpu.dma_semaphore, #tpu.memory_space<semaphore_mem>>) src(%arg11 : memref<128x16xf32, #tpu.memory_space<vmem>>) dst(%dma_wait3A_283 : memref<8192x16xf32, #tpu.memory_space<hbm>>)
    %dma_wait3A_284 = arith.constant 3 : i32
    %dma_wait3A_285 = arith.constant 0 : i32
    %dma_wait3A_286 = tpu.memref_slice %arg8[%dma_wait3A_284, %dma_wait3A_285] : memref<8x128xi32, #tpu.memory_space<vmem>> -> memref<1x128xi32, #tpu.memory_space<vmem>>
    %dma_wait3A_287 = tpu.memref_squeeze %dma_wait3A_286 : memref<1x128xi32, #tpu.memory_space<vmem>> -> memref<128xi32, #tpu.memory_space<vmem>>
    %dma_wait3A_288 = arith.constant 0 : i32
    %dma_wait3A_289 = arith.constant 0 : i32
    %dma_wait3A_290 = tpu.memref_slice %arg7[%arg0, %dma_wait3A_288, %dma_wait3A_289] : memref<2x8192x16xf32, #tpu.memory_space<hbm>> -> memref<1x8192x16xf32, #tpu.memory_space<hbm>>
    %dma_wait3A_291 = tpu.memref_squeeze %dma_wait3A_290 : memref<1x8192x16xf32, #tpu.memory_space<hbm>> -> memref<8192x16xf32, #tpu.memory_space<hbm>>
    %dma_wait3A_292 = arith.constant 0 : i32
    %dma_wait3A_293 = arith.constant 0 : i32
    %dma_wait3A_294 = tpu.memref_slice %dma_wait3A_291[%dma_wait3A_292, %dma_wait3A_293] : memref<8192x16xf32, #tpu.memory_space<hbm>> -> memref<8192x16xf32, #tpu.memory_space<hbm>>
    tpu.wait_indirect_dma semaphore(%arg12 : memref<!tpu.dma_semaphore, #tpu.memory_space<semaphore_mem>>) src(%arg11 : memref<128x16xf32, #tpu.memory_space<vmem>>) dst(%dma_wait3A_294 : memref<8192x16xf32, #tpu.memory_space<hbm>>)
    %dma_wait3A_295 = arith.constant 4 : i32
    %dma_wait3A_296 = arith.constant 0 : i32
    %dma_wait3A_297 = tpu.memref_slice %arg8[%dma_wait3A_295, %dma_wait3A_296] : memref<8x128xi32, #tpu.memory_space<vmem>> -> memref<1x128xi32, #tpu.memory_space<vmem>>
    %dma_wait3A_298 = tpu.memref_squeeze %dma_wait3A_297 : memref<1x128xi32, #tpu.memory_space<vmem>> -> memref<128xi32, #tpu.memory_space<vmem>>
    %dma_wait3A_299 = arith.constant 0 : i32
    %dma_wait3A_300 = arith.constant 0 : i32
    %dma_wait3A_301 = tpu.memref_slice %arg7[%arg0, %dma_wait3A_299, %dma_wait3A_300] : memref<2x8192x16xf32, #tpu.memory_space<hbm>> -> memref<1x8192x16xf32, #tpu.memory_space<hbm>>
    %dma_wait3A_302 = tpu.memref_squeeze %dma_wait3A_301 : memref<1x8192x16xf32, #tpu.memory_space<hbm>> -> memref<8192x16xf32, #tpu.memory_space<hbm>>
    %dma_wait3A_303 = arith.constant 0 : i32
    %dma_wait3A_304 = arith.constant 0 : i32
    %dma_wait3A_305 = tpu.memref_slice %dma_wait3A_302[%dma_wait3A_303, %dma_wait3A_304] : memref<8192x16xf32, #tpu.memory_space<hbm>> -> memref<8192x16xf32, #tpu.memory_space<hbm>>
    tpu.wait_indirect_dma semaphore(%arg12 : memref<!tpu.dma_semaphore, #tpu.memory_space<semaphore_mem>>) src(%arg11 : memref<128x16xf32, #tpu.memory_space<vmem>>) dst(%dma_wait3A_305 : memref<8192x16xf32, #tpu.memory_space<hbm>>)
    %dma_wait3A_306 = arith.constant 5 : i32
    %dma_wait3A_307 = arith.constant 0 : i32
    %dma_wait3A_308 = tpu.memref_slice %arg8[%dma_wait3A_306, %dma_wait3A_307] : memref<8x128xi32, #tpu.memory_space<vmem>> -> memref<1x128xi32, #tpu.memory_space<vmem>>
    %dma_wait3A_309 = tpu.memref_squeeze %dma_wait3A_308 : memref<1x128xi32, #tpu.memory_space<vmem>> -> memref<128xi32, #tpu.memory_space<vmem>>
    %dma_wait3A_310 = arith.constant 0 : i32
    %dma_wait3A_311 = arith.constant 0 : i32
    %dma_wait3A_312 = tpu.memref_slice %arg7[%arg0, %dma_wait3A_310, %dma_wait3A_311] : memref<2x8192x16xf32, #tpu.memory_space<hbm>> -> memref<1x8192x16xf32, #tpu.memory_space<hbm>>
    %dma_wait3A_313 = tpu.memref_squeeze %dma_wait3A_312 : memref<1x8192x16xf32, #tpu.memory_space<hbm>> -> memref<8192x16xf32, #tpu.memory_space<hbm>>
    %dma_wait3A_314 = arith.constant 0 : i32
    %dma_wait3A_315 = arith.constant 0 : i32
    %dma_wait3A_316 = tpu.memref_slice %dma_wait3A_313[%dma_wait3A_314, %dma_wait3A_315] : memref<8192x16xf32, #tpu.memory_space<hbm>> -> memref<8192x16xf32, #tpu.memory_space<hbm>>
    tpu.wait_indirect_dma semaphore(%arg12 : memref<!tpu.dma_semaphore, #tpu.memory_space<semaphore_mem>>) src(%arg11 : memref<128x16xf32, #tpu.memory_space<vmem>>) dst(%dma_wait3A_316 : memref<8192x16xf32, #tpu.memory_space<hbm>>)
    %dma_wait3A_317 = arith.constant 6 : i32
    %dma_wait3A_318 = arith.constant 0 : i32
    %dma_wait3A_319 = tpu.memref_slice %arg8[%dma_wait3A_317, %dma_wait3A_318] : memref<8x128xi32, #tpu.memory_space<vmem>> -> memref<1x128xi32, #tpu.memory_space<vmem>>
    %dma_wait3A_320 = tpu.memref_squeeze %dma_wait3A_319 : memref<1x128xi32, #tpu.memory_space<vmem>> -> memref<128xi32, #tpu.memory_space<vmem>>
    %dma_wait3A_321 = arith.constant 0 : i32
    %dma_wait3A_322 = arith.constant 0 : i32
    %dma_wait3A_323 = tpu.memref_slice %arg7[%arg0, %dma_wait3A_321, %dma_wait3A_322] : memref<2x8192x16xf32, #tpu.memory_space<hbm>> -> memref<1x8192x16xf32, #tpu.memory_space<hbm>>
    %dma_wait3A_324 = tpu.memref_squeeze %dma_wait3A_323 : memref<1x8192x16xf32, #tpu.memory_space<hbm>> -> memref<8192x16xf32, #tpu.memory_space<hbm>>
    %dma_wait3A_325 = arith.constant 0 : i32
    %dma_wait3A_326 = arith.constant 0 : i32
    %dma_wait3A_327 = tpu.memref_slice %dma_wait3A_324[%dma_wait3A_325, %dma_wait3A_326] : memref<8192x16xf32, #tpu.memory_space<hbm>> -> memref<8192x16xf32, #tpu.memory_space<hbm>>
    tpu.wait_indirect_dma semaphore(%arg12 : memref<!tpu.dma_semaphore, #tpu.memory_space<semaphore_mem>>) src(%arg11 : memref<128x16xf32, #tpu.memory_space<vmem>>) dst(%dma_wait3A_327 : memref<8192x16xf32, #tpu.memory_space<hbm>>)
    %dma_wait3A_328 = arith.constant 7 : i32
    %dma_wait3A_329 = arith.constant 0 : i32
    %dma_wait3A_330 = tpu.memref_slice %arg8[%dma_wait3A_328, %dma_wait3A_329] : memref<8x128xi32, #tpu.memory_space<vmem>> -> memref<1x128xi32, #tpu.memory_space<vmem>>
    %dma_wait3A_331 = tpu.memref_squeeze %dma_wait3A_330 : memref<1x128xi32, #tpu.memory_space<vmem>> -> memref<128xi32, #tpu.memory_space<vmem>>
    %dma_wait3A_332 = arith.constant 0 : i32
    %dma_wait3A_333 = arith.constant 0 : i32
    %dma_wait3A_334 = tpu.memref_slice %arg7[%arg0, %dma_wait3A_332, %dma_wait3A_333] : memref<2x8192x16xf32, #tpu.memory_space<hbm>> -> memref<1x8192x16xf32, #tpu.memory_space<hbm>>
    %dma_wait3A_335 = tpu.memref_squeeze %dma_wait3A_334 : memref<1x8192x16xf32, #tpu.memory_space<hbm>> -> memref<8192x16xf32, #tpu.memory_space<hbm>>
    %dma_wait3A_336 = arith.constant 0 : i32
    %dma_wait3A_337 = arith.constant 0 : i32
    %dma_wait3A_338 = tpu.memref_slice %dma_wait3A_335[%dma_wait3A_336, %dma_wait3A_337] : memref<8192x16xf32, #tpu.memory_space<hbm>> -> memref<8192x16xf32, #tpu.memory_space<hbm>>
    tpu.wait_indirect_dma semaphore(%arg12 : memref<!tpu.dma_semaphore, #tpu.memory_space<semaphore_mem>>) src(%arg11 : memref<128x16xf32, #tpu.memory_space<vmem>>) dst(%dma_wait3A_338 : memref<8192x16xf32, #tpu.memory_space<hbm>>)
    return
  }
}

module attributes {stable_mosaic.version = 14 : i64} {
  func.func @_argmax_body(%arg0: i32, %arg1: memref<32x32xf32, #tpu.memory_space<vmem>>, %arg2: memref<1x32x1024xf32, #tpu.memory_space<vmem>>, %arg3: memref<8192x32xf32, #tpu.memory_space<vmem>>, %arg4: memref<1x8x128xi32, #tpu.memory_space<vmem>>, %arg5: memref<32x32xf32, #tpu.memory_space<vmem>>, %arg6: memref<8192x1xf32, #tpu.memory_space<vmem>>, %arg7: memref<1x1xf32, #tpu.memory_space<vmem>>, %arg8: memref<8192x32xf32, #tpu.memory_space<vmem>>) attributes {dimension_semantics = [#tpu.dimension_semantics<arbitrary>], iteration_bounds = array<i64: 32>, scalar_prefetch = 0 : i64, scratch_operands = 1 : i64, tpu.core_type = #tpu.core_type<tc>, window_params = [{pipeline_mode = #tpu.pipeline_mode<synchronous>, transform_indices = @transform_0, window_bounds = array<i64: 32, 32>}, {transform_indices = @transform_1, window_bounds = array<i64: 1, 32, 1024>}, {pipeline_mode = #tpu.pipeline_mode<synchronous>, transform_indices = @transform_2, window_bounds = array<i64: 8192, 32>}, {transform_indices = @transform_3, window_bounds = array<i64: 1, 8, 128>}, {pipeline_mode = #tpu.pipeline_mode<synchronous>, transform_indices = @transform_4, window_bounds = array<i64: 32, 32>}, {pipeline_mode = #tpu.pipeline_mode<synchronous>, transform_indices = @transform_5, window_bounds = array<i64: 8192, 1>}, {pipeline_mode = #tpu.pipeline_mode<synchronous>, transform_indices = @transform_6, window_bounds = array<i64: 1, 1>}]} {
    %eq3A = arith.constant 0 : i32
    %eq3A_0 = arith.cmpi eq, %arg0, %eq3A : i32
    %convert_element_type3A = arith.extui %eq3A_0 : i1 to i32
    %cond3A = arith.constant 0 : i32
    %cond3A_1 = arith.cmpi ne, %convert_element_type3A, %cond3A : i32
    scf.if %cond3A_1 {
      %get3A_51 = arith.constant 0 : index
      %get3A_52 = arith.constant 0 : index
      %get3A_53 = vector.load %arg3[%get3A_51, %get3A_52] : memref<8192x32xf32, #tpu.memory_space<vmem>>, vector<8192x32xf32>
      %mul3A_54 = arith.mulf %get3A_53, %get3A_53 : vector<8192x32xf32>
      %reduce_sum3A_55 = arith.constant dense<0.000000e+00> : vector<8192xf32>
      %reduce_sum3A_56 = vector.multi_reduction <add>, %mul3A_54, %reduce_sum3A_55 [1] : vector<8192x32xf32> to vector<8192xf32>
      %broadcast_in_dim3A_57 = vector.shape_cast %reduce_sum3A_56 : vector<8192xf32> to vector<8192x1xf32>
      %sqrt3A_58 = math.sqrt %broadcast_in_dim3A_57 : vector<8192x1xf32>
      %max3A_59 = arith.constant 9.99999996E-13 : f32
      %max3A_60 = vector.broadcast %max3A_59 : f32 to vector<8192x1xf32>
      %max3A_61 = arith.maximumf %sqrt3A_58, %max3A_60 : vector<8192x1xf32>
      %div3A_62 = vector.broadcast %max3A_61 : vector<8192x1xf32> to vector<8192x32xf32>
      %div3A_63 = arith.divf %get3A_53, %div3A_62 : vector<8192x32xf32>
      %swap3A_64 = arith.constant 0 : index
      %swap3A_65 = arith.constant 0 : index
      %swap3A_66 = vector.load %arg8[%swap3A_64, %swap3A_65] : memref<8192x32xf32, #tpu.memory_space<vmem>>, vector<8192x32xf32>
      tpu.vector_store %arg8[%swap3A_64, %swap3A_65], %div3A_63 {strides = array<i32>} : memref<8192x32xf32, #tpu.memory_space<vmem>>, vector<8192x32xf32>,
    } else {
    }
    %get3A = arith.constant 0 : index
    %get3A_2 = arith.constant 0 : index
    %get3A_3 = vector.load %arg8[%get3A, %get3A_2] : memref<8192x32xf32, #tpu.memory_space<vmem>>, vector<8192x32xf32>
    %eq3A_4 = arith.constant 0 : i32
    %eq3A_5 = arith.cmpi eq, %arg0, %eq3A_4 : i32
    %convert_element_type3A_6 = arith.extui %eq3A_5 : i1 to i32
    %cond3A_7 = arith.constant 0 : i32
    %cond3A_8 = arith.cmpi ne, %convert_element_type3A_6, %cond3A_7 : i32
    scf.if %cond3A_8 {
      %get3A_51 = arith.constant 0 : index
      %get3A_52 = arith.constant 0 : index
      %get3A_53 = vector.load %arg1[%get3A_51, %get3A_52] : memref<32x32xf32, #tpu.memory_space<vmem>>, vector<32x32xf32>
      %transpose3A = tpu.transpose %get3A_53, [1, 0] : vector<32x32xf32> -> vector<32x32xf32>
      %mul3A_54 = arith.mulf %transpose3A, %transpose3A : vector<32x32xf32>
      %reduce_sum3A_55 = arith.constant dense<0.000000e+00> : vector<32xf32>
      %reduce_sum3A_56 = vector.multi_reduction <add>, %mul3A_54, %reduce_sum3A_55 [0] : vector<32x32xf32> to vector<32xf32>
      %broadcast_in_dim3A_57 = vector.shape_cast %reduce_sum3A_56 : vector<32xf32> to vector<1x32xf32>
      %sqrt3A_58 = math.sqrt %broadcast_in_dim3A_57 : vector<1x32xf32>
      %max3A_59 = arith.constant 9.99999996E-13 : f32
      %max3A_60 = vector.broadcast %max3A_59 : f32 to vector<1x32xf32>
      %max3A_61 = arith.maximumf %sqrt3A_58, %max3A_60 : vector<1x32xf32>
      %div3A_62 = vector.broadcast %max3A_61 : vector<1x32xf32> to vector<32x32xf32>
      %div3A_63 = arith.divf %transpose3A, %div3A_62 : vector<32x32xf32>
      %dot_general3A_64 = arith.constant dense<0.000000e+00> : vector<8192x32xf32>
      %dot_general3A_65 = tpu.matmul %get3A_3, %div3A_63, %dot_general3A_64 {dimension_numbers = #tpu.dot_dimension_numbers<[1], [0], [0], [1], [0, 0, 1, 1], [], []>, transpose_lhs_hint = false} : vector<8192x32xf32>, vector<32x32xf32>, vector<8192x32xf32> -> vector<8192x32xf32>
      %reshape3A_66 = vector.shape_cast %dot_general3A_65 : vector<8192x32xf32> to vector<64x128x32xf32>
      %reduce_max3A_67 = arith.constant dense<0xFF800000> : vector<64x32xf32>
      %reduce_max3A_68 = vector.multi_reduction <maximumf>, %reshape3A_66, %reduce_max3A_67 [1] : vector<64x128x32xf32> to vector<64x32xf32>
      %reduce_max3A_69 = arith.constant dense<0xFF800000> : vector<32xf32>
      %reduce_max3A_70 = vector.multi_reduction <maximumf>, %reduce_max3A_68, %reduce_max3A_69 [0] : vector<64x32xf32> to vector<32xf32>
      %broadcast_in_dim3A_71 = vector.shape_cast %reduce_max3A_70 : vector<32xf32> to vector<1x32xf32>
      %iota3A_72 = tpu.iota {dimensions = array<i32: 1>} : vector<64x128x32xi32>
      %or3A_73 = arith.constant 1258291200 : i32
      %or3A_74 = vector.broadcast %or3A_73 : i32 to vector<64x128x32xi32>
      %or3A_75 = arith.ori %iota3A_72, %or3A_74 : vector<64x128x32xi32>
      %bitcast_convert_type3A_76 = tpu.bitcast %or3A_75 : vector<64x128x32xi32> -> vector<64x128x32xf32>
      %broadcast_in_dim3A_77 = vector.shape_cast %reduce_max3A_68 : vector<64x32xf32> to vector<64x1x32xf32>
      %eq3A_78 = vector.broadcast %broadcast_in_dim3A_77 : vector<64x1x32xf32> to vector<64x128x32xf32>
      %eq3A_79 = arith.cmpf oeq, %reshape3A_66, %eq3A_78 : vector<64x128x32xf32>
      %jit3A_80 = arith.constant 8.396800e+06 : f32
      %broadcast_in_dim3A_81 = vector.broadcast %jit3A_80 : f32 to vector<64x128x32xf32>
      %select_n3A_82 = arith.select %eq3A_79, %bitcast_convert_type3A_76, %broadcast_in_dim3A_81 : vector<64x128x32xi1>, vector<64x128x32xf32>
      %reduce_min3A_83 = arith.constant dense<0x7F800000> : vector<64x32xf32>
      %reduce_min3A_84 = vector.multi_reduction <minimumf>, %select_n3A_82, %reduce_min3A_83 [1] : vector<64x128x32xf32> to vector<64x32xf32>
      %iota3A_85 = tpu.iota {dimensions = array<i32: 0>} : vector<64x32xi32>
      %mul3A_86 = arith.constant 128 : i32
      %mul3A_87 = vector.broadcast %mul3A_86 : i32 to vector<64x32xi32>
      %mul3A_88 = arith.muli %iota3A_85, %mul3A_87 : vector<64x32xi32>
      %convert_element_type3A_89 = arith.sitofp %mul3A_88 : vector<64x32xi32> to vector<64x32xf32>
      %eq3A_90 = vector.broadcast %broadcast_in_dim3A_71 : vector<1x32xf32> to vector<64x32xf32>
      %eq3A_91 = arith.cmpf oeq, %reduce_max3A_68, %eq3A_90 : vector<64x32xf32>
      %add3A_92 = arith.addf %reduce_min3A_84, %convert_element_type3A_89 : vector<64x32xf32>
      %jit3A_93 = arith.constant 0x4B004000 : f32
      %broadcast_in_dim3A_94 = vector.broadcast %jit3A_93 : f32 to vector<64x32xf32>
      %select_n3A_95 = arith.select %eq3A_91, %add3A_92, %broadcast_in_dim3A_94 : vector<64x32xi1>, vector<64x32xf32>
      %reduce_min3A_96 = arith.constant dense<0x7F800000> : vector<32xf32>
      %reduce_min3A_97 = vector.multi_reduction <minimumf>, %select_n3A_95, %reduce_min3A_96 [0] : vector<64x32xf32> to vector<32xf32>
      %broadcast_in_dim3A_98 = vector.shape_cast %reduce_min3A_97 : vector<32xf32> to vector<1x32xf32>
      %bitcast_convert_type3A_99 = tpu.bitcast %broadcast_in_dim3A_98 : vector<1x32xf32> -> vector<1x32xi32>
      %and3A_100 = arith.constant 8388607 : i32
      %and3A_101 = vector.broadcast %and3A_100 : i32 to vector<1x32xi32>
      %and3A_102 = arith.andi %bitcast_convert_type3A_99, %and3A_101 : vector<1x32xi32>
      %iota3A_103 = tpu.iota {dimensions = array<i32: 0>} : vector<8192x32xi32>
      %eq3A_104 = vector.broadcast %and3A_102 : vector<1x32xi32> to vector<8192x32xi32>
      %eq3A_105 = arith.cmpi eq, %iota3A_103, %eq3A_104 : vector<8192x32xi32>
      %convert_element_type3A_106 = arith.extui %eq3A_105 : vector<8192x32xi1> to vector<8192x32xi32>
      %convert_element_type3A_107 = arith.sitofp %convert_element_type3A_106 : vector<8192x32xi32> to vector<8192x32xf32>
      %get3A_108 = arith.constant 0 : index
      %get3A_109 = arith.constant 0 : index
      %get3A_110 = vector.load %arg3[%get3A_108, %get3A_109] : memref<8192x32xf32, #tpu.memory_space<vmem>>, vector<8192x32xf32>
      %dot_general3A_111 = arith.constant dense<0.000000e+00> : vector<32x32xf32>
      %dot_general3A_112 = tpu.matmul %get3A_110, %convert_element_type3A_107, %dot_general3A_111 {dimension_numbers = #tpu.dot_dimension_numbers<[0], [0], [1], [1], [0, 1, 1, 1], [], []>, precision = #tpu.contract_precision<fp32>, transpose_lhs_hint = false} : vector<8192x32xf32>, vector<8192x32xf32>, vector<32x32xf32> -> vector<32x32xf32>
      %transpose3A_113 = tpu.transpose %dot_general3A_112, [1, 0] : vector<32x32xf32> -> vector<32x32xf32>
      %swap3A_114 = arith.constant 0 : index
      %swap3A_115 = arith.constant 0 : index
      %swap3A_116 = vector.load %arg5[%swap3A_114, %swap3A_115] : memref<32x32xf32, #tpu.memory_space<vmem>>, vector<32x32xf32>
      tpu.vector_store %arg5[%swap3A_114, %swap3A_115], %transpose3A_113 {strides = array<i32>} : memref<32x32xf32, #tpu.memory_space<vmem>>, vector<32x32xf32>,
      %reduce_max3A_117 = arith.constant dense<0xFF800000> : vector<8192xf32>
      %reduce_max3A_118 = vector.multi_reduction <maximumf>, %convert_element_type3A_107, %reduce_max3A_117 [1] : vector<8192x32xf32> to vector<8192xf32>
      %broadcast_in_dim3A_119 = vector.shape_cast %reduce_max3A_118 : vector<8192xf32> to vector<8192x1xf32>
      %swap3A_120 = arith.constant 0 : index
      %swap3A_121 = arith.constant 0 : index
      %swap3A_122 = vector.load %arg6[%swap3A_120, %swap3A_121] : memref<8192x1xf32, #tpu.memory_space<vmem>>, vector<8192x1xf32>
      tpu.vector_store %arg6[%swap3A_120, %swap3A_121], %broadcast_in_dim3A_119 {strides = array<i32>} : memref<8192x1xf32, #tpu.memory_space<vmem>>, vector<8192x1xf32>,
      %sub3A = arith.subf %dot_general3A_112, %transpose3A : vector<32x32xf32>
      %mul3A_123 = arith.mulf %sub3A, %sub3A : vector<32x32xf32>
      %reduce_sum3A_124 = vector.shape_cast %mul3A_123 : vector<32x32xf32> to vector<1x32x32xf32>
      %reduce_sum3A_125 = arith.constant dense<0.000000e+00> : vector<1xf32>
      %reduce_sum3A_126 = vector.multi_reduction <add>, %reduce_sum3A_124, %reduce_sum3A_125 [1, 2] : vector<1x32x32xf32> to vector<1xf32>
      %reduce_sum3A_127 = vector.shape_cast %reduce_sum3A_126 : vector<1xf32> to vector<1x1x1xf32>
      %reduce_sum3A_128 = vector.extract %reduce_sum3A_127[0, 0, 0] : f32 from vector<1x1x1xf32>
      %broadcast_in_dim3A_129 = vector.broadcast %reduce_sum3A_128 : f32 to vector<1x1xf32>
      %swap3A_130 = arith.constant 0 : index
      %swap3A_131 = arith.constant 0 : index
      %swap3A_132 = vector.load %arg7[%swap3A_130, %swap3A_131] : memref<1x1xf32, #tpu.memory_space<vmem>>, vector<1x1xf32>
      tpu.vector_store %arg7[%swap3A_130, %swap3A_131], %broadcast_in_dim3A_129 {strides = array<i32>} : memref<1x1xf32, #tpu.memory_space<vmem>>, vector<1x1xf32>,
    } else {
    }
    %get3A_9 = arith.constant 0 : index
    %get3A_10 = arith.constant 0 : index
    %get3A_11 = arith.constant 0 : index
    %get3A_12 = vector.load %arg2[%get3A_9, %get3A_10, %get3A_11] : memref<1x32x1024xf32, #tpu.memory_space<vmem>>, vector<1x32x1024xf32>
    %get3A_13 = vector.shape_cast %get3A_12 : vector<1x32x1024xf32> to vector<32x1024xf32>
    %mul3A = arith.mulf %get3A_13, %get3A_13 : vector<32x1024xf32>
    %reduce_sum3A = arith.constant dense<0.000000e+00> : vector<1024xf32>
    %reduce_sum3A_14 = vector.multi_reduction <add>, %mul3A, %reduce_sum3A [0] : vector<32x1024xf32> to vector<1024xf32>
    %broadcast_in_dim3A = vector.shape_cast %reduce_sum3A_14 : vector<1024xf32> to vector<1x1024xf32>
    %sqrt3A = math.sqrt %broadcast_in_dim3A : vector<1x1024xf32>
    %max3A = arith.constant 9.99999996E-13 : f32
    %max3A_15 = vector.broadcast %max3A : f32 to vector<1x1024xf32>
    %max3A_16 = arith.maximumf %sqrt3A, %max3A_15 : vector<1x1024xf32>
    %div3A = vector.broadcast %max3A_16 : vector<1x1024xf32> to vector<32x1024xf32>
    %div3A_17 = arith.divf %get3A_13, %div3A : vector<32x1024xf32>
    %dot_general3A = arith.constant dense<0.000000e+00> : vector<8192x1024xf32>
    %dot_general3A_18 = tpu.matmul %get3A_3, %div3A_17, %dot_general3A {dimension_numbers = #tpu.dot_dimension_numbers<[1], [0], [0], [1], [0, 0, 1, 1], [], []>, transpose_lhs_hint = false} : vector<8192x32xf32>, vector<32x1024xf32>, vector<8192x1024xf32> -> vector<8192x1024xf32>
    %reshape3A = vector.shape_cast %dot_general3A_18 : vector<8192x1024xf32> to vector<64x128x1024xf32>
    %reduce_max3A = arith.constant dense<0xFF800000> : vector<64x1024xf32>
    %reduce_max3A_19 = vector.multi_reduction <maximumf>, %reshape3A, %reduce_max3A [1] : vector<64x128x1024xf32> to vector<64x1024xf32>
    %reduce_max3A_20 = arith.constant dense<0xFF800000> : vector<1024xf32>
    %reduce_max3A_21 = vector.multi_reduction <maximumf>, %reduce_max3A_19, %reduce_max3A_20 [0] : vector<64x1024xf32> to vector<1024xf32>
    %broadcast_in_dim3A_22 = vector.shape_cast %reduce_max3A_21 : vector<1024xf32> to vector<1x1024xf32>
    %iota3A = tpu.iota {dimensions = array<i32: 1>} : vector<64x128x1024xi32>
    %or3A = arith.constant 1258291200 : i32
    %or3A_23 = vector.broadcast %or3A : i32 to vector<64x128x1024xi32>
    %or3A_24 = arith.ori %iota3A, %or3A_23 : vector<64x128x1024xi32>
    %bitcast_convert_type3A = tpu.bitcast %or3A_24 : vector<64x128x1024xi32> -> vector<64x128x1024xf32>
    %broadcast_in_dim3A_25 = vector.shape_cast %reduce_max3A_19 : vector<64x1024xf32> to vector<64x1x1024xf32>
    %eq3A_26 = vector.broadcast %broadcast_in_dim3A_25 : vector<64x1x1024xf32> to vector<64x128x1024xf32>
    %eq3A_27 = arith.cmpf oeq, %reshape3A, %eq3A_26 : vector<64x128x1024xf32>
    %jit3A = arith.constant 8.396800e+06 : f32
    %broadcast_in_dim3A_28 = vector.broadcast %jit3A : f32 to vector<64x128x1024xf32>
    %select_n3A = arith.select %eq3A_27, %bitcast_convert_type3A, %broadcast_in_dim3A_28 : vector<64x128x1024xi1>, vector<64x128x1024xf32>
    %reduce_min3A = arith.constant dense<0x7F800000> : vector<64x1024xf32>
    %reduce_min3A_29 = vector.multi_reduction <minimumf>, %select_n3A, %reduce_min3A [1] : vector<64x128x1024xf32> to vector<64x1024xf32>
    %iota3A_30 = tpu.iota {dimensions = array<i32: 0>} : vector<64x1024xi32>
    %mul3A_31 = arith.constant 128 : i32
    %mul3A_32 = vector.broadcast %mul3A_31 : i32 to vector<64x1024xi32>
    %mul3A_33 = arith.muli %iota3A_30, %mul3A_32 : vector<64x1024xi32>
    %convert_element_type3A_34 = arith.sitofp %mul3A_33 : vector<64x1024xi32> to vector<64x1024xf32>
    %eq3A_35 = vector.broadcast %broadcast_in_dim3A_22 : vector<1x1024xf32> to vector<64x1024xf32>
    %eq3A_36 = arith.cmpf oeq, %reduce_max3A_19, %eq3A_35 : vector<64x1024xf32>
    %add3A = arith.addf %reduce_min3A_29, %convert_element_type3A_34 : vector<64x1024xf32>
    %jit3A_37 = arith.constant 0x4B004000 : f32
    %broadcast_in_dim3A_38 = vector.broadcast %jit3A_37 : f32 to vector<64x1024xf32>
    %select_n3A_39 = arith.select %eq3A_36, %add3A, %broadcast_in_dim3A_38 : vector<64x1024xi1>, vector<64x1024xf32>
    %reduce_min3A_40 = arith.constant dense<0x7F800000> : vector<1024xf32>
    %reduce_min3A_41 = vector.multi_reduction <minimumf>, %select_n3A_39, %reduce_min3A_40 [0] : vector<64x1024xf32> to vector<1024xf32>
    %broadcast_in_dim3A_42 = vector.shape_cast %reduce_min3A_41 : vector<1024xf32> to vector<1x1024xf32>
    %bitcast_convert_type3A_43 = tpu.bitcast %broadcast_in_dim3A_42 : vector<1x1024xf32> -> vector<1x1024xi32>
    %and3A = arith.constant 8388607 : i32
    %and3A_44 = vector.broadcast %and3A : i32 to vector<1x1024xi32>
    %and3A_45 = arith.andi %bitcast_convert_type3A_43, %and3A_44 : vector<1x1024xi32>
    %reshape3A_46 = vector.shape_cast %and3A_45 : vector<1x1024xi32> to vector<8x128xi32>
    %broadcast_in_dim3A_47 = vector.shape_cast %reshape3A_46 : vector<8x128xi32> to vector<1x8x128xi32>
    %swap3A = arith.constant 0 : index
    %swap3A_48 = arith.constant 0 : index
    %swap3A_49 = arith.constant 0 : index
    %swap3A_50 = vector.load %arg4[%swap3A, %swap3A_48, %swap3A_49] : memref<1x8x128xi32, #tpu.memory_space<vmem>>, vector<1x8x128xi32>
    tpu.vector_store %arg4[%swap3A, %swap3A_48, %swap3A_49], %broadcast_in_dim3A_47 {strides = array<i32>} : memref<1x8x128xi32, #tpu.memory_space<vmem>>, vector<1x8x128xi32>,
    return
  }
  func.func @transform_0(%arg0: i32) -> (i32, i32) {
    %c0_i32 = arith.constant 0 : i32
    %c0_i32_0 = arith.constant 0 : i32
    %c0_i32_1 = arith.constant 0 : i32
    return %c0_i32, %c0_i32_0 : i32, i32
  }
  func.func @transform_1(%arg0: i32) -> (i32, i32, i32) {
    %c0_i32 = arith.constant 0 : i32
    %c0_i32_0 = arith.constant 0 : i32
    %c0_i32_1 = arith.constant 0 : i32
    return %arg0, %c0_i32, %c0_i32_0 : i32, i32, i32
  }
  func.func @transform_2(%arg0: i32) -> (i32, i32) {
    %c0_i32 = arith.constant 0 : i32
    %c0_i32_0 = arith.constant 0 : i32
    %c0_i32_1 = arith.constant 0 : i32
    return %c0_i32, %c0_i32_0 : i32, i32
  }
  func.func @transform_3(%arg0: i32) -> (i32, i32, i32) {
    %c0_i32 = arith.constant 0 : i32
    %c0_i32_0 = arith.constant 0 : i32
    %c0_i32_1 = arith.constant 0 : i32
    return %arg0, %c0_i32, %c0_i32_0 : i32, i32, i32
  }
  func.func @transform_4(%arg0: i32) -> (i32, i32) {
    %c0_i32 = arith.constant 0 : i32
    %c0_i32_0 = arith.constant 0 : i32
    %c0_i32_1 = arith.constant 0 : i32
    return %c0_i32, %c0_i32_0 : i32, i32
  }
  func.func @transform_5(%arg0: i32) -> (i32, i32) {
    %c0_i32 = arith.constant 0 : i32
    %c0_i32_0 = arith.constant 0 : i32
    %c0_i32_1 = arith.constant 0 : i32
    return %c0_i32, %c0_i32_0 : i32, i32
  }
  func.func @transform_6(%arg0: i32) -> (i32, i32) {
    %c0_i32 = arith.constant 0 : i32
    %c0_i32_0 = arith.constant 0 : i32
    %c0_i32_1 = arith.constant 0 : i32
    return %c0_i32, %c0_i32_0 : i32, i32
  }
}

module attributes {stable_mosaic.version = 14 : i64} {
  func.func @_fin_body(%arg0: i32, %arg1: memref<1x1024x32xf32, #tpu.memory_space<vmem>>, %arg2: memref<1x32x1024xf32, #tpu.memory_space<vmem>>, %arg3: memref<2x8192x16xf32, #tpu.memory_space<vmem>>, %arg4: memref<8192x1xf32, #tpu.memory_space<vmem>>, %arg5: memref<1x1xf32, #tpu.memory_space<vmem>>, %arg6: memref<1x32x1024xf32, #tpu.memory_space<vmem>>, %arg7: memref<1x1xf32, #tpu.memory_space<vmem>>, %arg8: memref<1x1xf32, #tpu.memory_space<vmem>>, %arg9: memref<1xf32, #tpu.memory_space<smem>>) attributes {dimension_semantics = [#tpu.dimension_semantics<arbitrary>], iteration_bounds = array<i64: 32>, scalar_prefetch = 0 : i64, scratch_operands = 1 : i64, tpu.core_type = #tpu.core_type<tc>, window_params = [{transform_indices = @transform_0, window_bounds = array<i64: 1, 1024, 32>}, {transform_indices = @transform_1, window_bounds = array<i64: 1, 32, 1024>}, {pipeline_mode = #tpu.pipeline_mode<synchronous>, transform_indices = @transform_2, window_bounds = array<i64: 2, 8192, 16>}, {pipeline_mode = #tpu.pipeline_mode<synchronous>, transform_indices = @transform_3, window_bounds = array<i64: 8192, 1>}, {pipeline_mode = #tpu.pipeline_mode<synchronous>, transform_indices = @transform_4, window_bounds = array<i64: 1, 1>}, {transform_indices = @transform_5, window_bounds = array<i64: 1, 32, 1024>}, {pipeline_mode = #tpu.pipeline_mode<synchronous>, transform_indices = @transform_6, window_bounds = array<i64: 1, 1>}, {pipeline_mode = #tpu.pipeline_mode<synchronous>, transform_indices = @transform_7, window_bounds = array<i64: 1, 1>}]} {
    %eq3A = arith.constant 0 : i32
    %eq3A_0 = arith.cmpi eq, %arg0, %eq3A : i32
    %convert_element_type3A = arith.extui %eq3A_0 : i1 to i32
    %cond3A = arith.constant 0 : i32
    %cond3A_1 = arith.cmpi ne, %convert_element_type3A, %cond3A : i32
    scf.if %cond3A_1 {
      %get3A_29 = arith.constant 0 : index
      %get3A_30 = arith.constant 0 : index
      %get3A_31 = vector.load %arg5[%get3A_29, %get3A_30] : memref<1x1xf32, #tpu.memory_space<vmem>>, vector<1x1xf32>
      %get3A_32 = vector.extract %get3A_31[0, 0] : f32 from vector<1x1xf32>
      %swap3A_33 = arith.constant 0 : index
      %swap3A_34 = memref.load %arg9[%swap3A_33] : memref<1xf32, #tpu.memory_space<smem>>
      memref.store %get3A_32, %arg9[%swap3A_33] : memref<1xf32, #tpu.memory_space<smem>>
    } else {
    }
    %get3A = arith.constant 0 : index
    %get3A_2 = arith.constant 0 : index
    %get3A_3 = arith.constant 0 : index
    %get3A_4 = vector.load %arg1[%get3A, %get3A_2, %get3A_3] : memref<1x1024x32xf32, #tpu.memory_space<vmem>>, vector<1x1024x32xf32>
    %get3A_5 = vector.shape_cast %get3A_4 : vector<1x1024x32xf32> to vector<1024x32xf32>
    %transpose3A = tpu.transpose %get3A_5, [1, 0] : vector<1024x32xf32> -> vector<32x1024xf32>
    %swap3A = arith.constant 0 : index
    %swap3A_6 = arith.constant 0 : index
    %swap3A_7 = arith.constant 0 : index
    %swap3A_8 = vector.load %arg6[%swap3A, %swap3A_6, %swap3A_7] : memref<1x32x1024xf32, #tpu.memory_space<vmem>>, vector<1x32x1024xf32>
    %swap3A_9 = vector.shape_cast %swap3A_8 : vector<1x32x1024xf32> to vector<32x1024xf32>
    %swap3A_10 = vector.shape_cast %transpose3A : vector<32x1024xf32> to vector<1x32x1024xf32>
    tpu.vector_store %arg6[%swap3A, %swap3A_6, %swap3A_7], %swap3A_10 {strides = array<i32>} : memref<1x32x1024xf32, #tpu.memory_space<vmem>>, vector<1x32x1024xf32>,
    %get3A_11 = arith.constant 0 : index
    %get3A_12 = arith.constant 0 : index
    %get3A_13 = arith.constant 0 : index
    %get3A_14 = vector.load %arg2[%get3A_11, %get3A_12, %get3A_13] : memref<1x32x1024xf32, #tpu.memory_space<vmem>>, vector<1x32x1024xf32>
    %get3A_15 = vector.shape_cast %get3A_14 : vector<1x32x1024xf32> to vector<32x1024xf32>
    %sub3A = arith.subf %transpose3A, %get3A_15 : vector<32x1024xf32>
    %get3A_16 = arith.constant 0 : index
    %get3A_17 = memref.load %arg9[%get3A_16] : memref<1xf32, #tpu.memory_space<smem>>
    %mul3A = arith.mulf %sub3A, %sub3A : vector<32x1024xf32>
    %reduce_sum3A = vector.shape_cast %mul3A : vector<32x1024xf32> to vector<1x32x1024xf32>
    %reduce_sum3A_18 = arith.constant dense<0.000000e+00> : vector<1xf32>
    %reduce_sum3A_19 = vector.multi_reduction <add>, %reduce_sum3A, %reduce_sum3A_18 [1, 2] : vector<1x32x1024xf32> to vector<1xf32>
    %reduce_sum3A_20 = vector.shape_cast %reduce_sum3A_19 : vector<1xf32> to vector<1x1x1xf32>
    %reduce_sum3A_21 = vector.extract %reduce_sum3A_20[0, 0, 0] : f32 from vector<1x1x1xf32>
    %add3A = arith.addf %get3A_17, %reduce_sum3A_21 : f32
    %swap3A_22 = arith.constant 0 : index
    %swap3A_23 = memref.load %arg9[%swap3A_22] : memref<1xf32, #tpu.memory_space<smem>>
    memref.store %add3A, %arg9[%swap3A_22] : memref<1xf32, #tpu.memory_space<smem>>
    %eq3A_24 = arith.constant 31 : i32
    %eq3A_25 = arith.cmpi eq, %arg0, %eq3A_24 : i32
    %convert_element_type3A_26 = arith.extui %eq3A_25 : i1 to i32
    %cond3A_27 = arith.constant 0 : i32
    %cond3A_28 = arith.cmpi ne, %convert_element_type3A_26, %cond3A_27 : i32
    scf.if %cond3A_28 {
      %get3A_29 = arith.constant 0 : index
      %get3A_30 = memref.load %arg9[%get3A_29] : memref<1xf32, #tpu.memory_space<smem>>
      %mul3A_31 = arith.constant 1.250000e+00 : f32
      %mul3A_32 = arith.mulf %mul3A_31, %get3A_30 : f32
      %div3A = arith.constant 1.049600e+06 : f32
      %div3A_33 = arith.divf %mul3A_32, %div3A : f32
      %broadcast_in_dim3A = vector.broadcast %div3A_33 : f32 to vector<1x1xf32>
      %swap3A_34 = arith.constant 0 : index
      %swap3A_35 = arith.constant 0 : index
      %swap3A_36 = vector.load %arg7[%swap3A_34, %swap3A_35] : memref<1x1xf32, #tpu.memory_space<vmem>>, vector<1x1xf32>
      tpu.vector_store %arg7[%swap3A_34, %swap3A_35], %broadcast_in_dim3A {strides = array<i32>} : memref<1x1xf32, #tpu.memory_space<vmem>>, vector<1x1xf32>,
      %get3A_37 = arith.constant 0 : index
      %get3A_38 = arith.constant 0 : index
      %get3A_39 = arith.constant 0 : index
      %get3A_40 = vector.load %arg3[%get3A_37, %get3A_38, %get3A_39] : memref<2x8192x16xf32, #tpu.memory_space<vmem>>, vector<2x8192x16xf32>
      %reduce_max3A = arith.constant dense<0xFF800000> : vector<8192xf32>
      %reduce_max3A_41 = vector.multi_reduction <maximumf>, %get3A_40, %reduce_max3A [0, 2] : vector<2x8192x16xf32> to vector<8192xf32>
      %broadcast_in_dim3A_42 = vector.shape_cast %reduce_max3A_41 : vector<8192xf32> to vector<8192x1xf32>
      %get3A_43 = arith.constant 0 : index
      %get3A_44 = arith.constant 0 : index
      %get3A_45 = vector.load %arg4[%get3A_43, %get3A_44] : memref<8192x1xf32, #tpu.memory_space<vmem>>, vector<8192x1xf32>
      %max3A = arith.maximumf %broadcast_in_dim3A_42, %get3A_45 : vector<8192x1xf32>
      %reduce_sum3A_46 = vector.shape_cast %max3A : vector<8192x1xf32> to vector<1x8192x1xf32>
      %reduce_sum3A_47 = arith.constant dense<0.000000e+00> : vector<1xf32>
      %reduce_sum3A_48 = vector.multi_reduction <add>, %reduce_sum3A_46, %reduce_sum3A_47 [1, 2] : vector<1x8192x1xf32> to vector<1xf32>
      %reduce_sum3A_49 = vector.shape_cast %reduce_sum3A_48 : vector<1xf32> to vector<1x1x1xf32>
      %reduce_sum3A_50 = vector.extract %reduce_sum3A_49[0, 0, 0] : f32 from vector<1x1x1xf32>
      %mul3A_51 = arith.constant 0.0122070313 : f32
      %mul3A_52 = arith.mulf %reduce_sum3A_50, %mul3A_51 : f32
      %broadcast_in_dim3A_53 = vector.broadcast %mul3A_52 : f32 to vector<1x1xf32>
      %swap3A_54 = arith.constant 0 : index
      %swap3A_55 = arith.constant 0 : index
      %swap3A_56 = vector.load %arg8[%swap3A_54, %swap3A_55] : memref<1x1xf32, #tpu.memory_space<vmem>>, vector<1x1xf32>
      tpu.vector_store %arg8[%swap3A_54, %swap3A_55], %broadcast_in_dim3A_53 {strides = array<i32>} : memref<1x1xf32, #tpu.memory_space<vmem>>, vector<1x1xf32>,
    } else {
    }
    return
  }
  func.func @transform_0(%arg0: i32) -> (i32, i32, i32) {
    %c0_i32 = arith.constant 0 : i32
    %c0_i32_0 = arith.constant 0 : i32
    %c0_i32_1 = arith.constant 0 : i32
    return %arg0, %c0_i32, %c0_i32_0 : i32, i32, i32
  }
  func.func @transform_1(%arg0: i32) -> (i32, i32, i32) {
    %c0_i32 = arith.constant 0 : i32
    %c0_i32_0 = arith.constant 0 : i32
    %c0_i32_1 = arith.constant 0 : i32
    return %arg0, %c0_i32, %c0_i32_0 : i32, i32, i32
  }
  func.func @transform_2(%arg0: i32) -> (i32, i32, i32) {
    %c0_i32 = arith.constant 0 : i32
    %c0_i32_0 = arith.constant 0 : i32
    %c0_i32_1 = arith.constant 0 : i32
    %c0_i32_2 = arith.constant 0 : i32
    return %c0_i32, %c0_i32_0, %c0_i32_1 : i32, i32, i32
  }
  func.func @transform_3(%arg0: i32) -> (i32, i32) {
    %c0_i32 = arith.constant 0 : i32
    %c0_i32_0 = arith.constant 0 : i32
    %c0_i32_1 = arith.constant 0 : i32
    return %c0_i32, %c0_i32_0 : i32, i32
  }
  func.func @transform_4(%arg0: i32) -> (i32, i32) {
    %c0_i32 = arith.constant 0 : i32
    %c0_i32_0 = arith.constant 0 : i32
    %c0_i32_1 = arith.constant 0 : i32
    return %c0_i32, %c0_i32_0 : i32, i32
  }
  func.func @transform_5(%arg0: i32) -> (i32, i32, i32) {
    %c0_i32 = arith.constant 0 : i32
    %c0_i32_0 = arith.constant 0 : i32
    %c0_i32_1 = arith.constant 0 : i32
    return %arg0, %c0_i32, %c0_i32_0 : i32, i32, i32
  }
  func.func @transform_6(%arg0: i32) -> (i32, i32) {
    %c0_i32 = arith.constant 0 : i32
    %c0_i32_0 = arith.constant 0 : i32
    %c0_i32_1 = arith.constant 0 : i32
    return %c0_i32, %c0_i32_0 : i32, i32
  }
  func.func @transform_7(%arg0: i32) -> (i32, i32) {
    %c0_i32 = arith.constant 0 : i32
    %c0_i32_0 = arith.constant 0 : i32
    %c0_i32_1 = arith.constant 0 : i32
    return %c0_i32, %c0_i32_0 : i32, i32
  }
}

</mosaic_0001>

<sc_bundles>
// kernel: kernel.5.cloned.1.call-start
scs
__scs_entry_jumppad:
0x0: {  	(pc) =	sbr.rel $0x88, $3  }
0x1: {  	(tag) =	ssettag $0x0;
	lr =	simm.s32 $0x1  }
0x2: {  	[smem:$0x3F9E] =	sst lr;
	_ =	strace $0xD0000000  }
0x3: {  	_ = 	snop  }
0x4: {  	_ = 	snop  }
0x5: {  	_ = 	snop  }
0x6: {  	_ = 	snop  }
0x7: {  	_ = 	snop  }
__scs_overlays_trampoline_lowered:
0x8: {  	[smem:$0x3FAD] =	sst s0  }
0x9: {  	[smem:$0x3FAE] =	sst s1  }
0xa: {  	[smem:$0x3FAF] =	sst s2  }
0xb: {  	[smem:$0x3FB0] =	sst s3  }
0xc: {  	[smem:$0x3FB1] =	sst s4  }
0xd: {  	[smem:$0x3FB2] =	sst s5  }
0xe: {  	[smem:$0x3FB3] =	sst s6  }
0xf: {  	[smem:$0x3FB4] =	sst s7  }
0x10: {  	[smem:$0x3FB5] =	sst s8  }
0x11: {  	[smem:$0x3FB6] =	sst s9;
	s0 =	simm.s32 @!p0 $0x0  }
0x12: {  	s1 =	sld [smem:$0x3F9C];
	s0 =	simm.s32 @p0 $0x1  }
0x13: {  	[smem:$0x3FB7] =	sst s0;
	s0 =	simm.s32 @!p1 $0x0  }
0x14: {  	s2 =	sld [smem:$0x3F9B];
	s0 =	simm.s32 @p1 $0x1  }
0x15: {  	[smem:$0x3FB8] =	sst s0;
	s0 =	simm.s32 @!p2 $0x0  }
0x16: {  	s3 =	sld [smem:$0x3FDB];
	s0 =	simm.s32 @p2 $0x1  }
0x17: {  	s4 =	simm.s32 $0x1BF5;
	[smem:$0x3FBA] =	sst s0  }
0x18: {  	s0 =	sld [smem:$0x3F9D];
	_ =	swait.ge [sflag:s4], $0x0  }
0x19: {  	s7 =	sld [smem:$0x3F9E]  }
0x1a: {  	s8 =	sadd.s32 $0xFFFFE003, lr  }
0x1b: {  	s9 =	sadd.s32 $0xFFFFFEF7, lr;
	s5 =	simm.s32 $0xFFFFFFFF;
	p2 =	slt.u32 s8, $0xFFFFF086  }
0x1c: {  	p1 =	slt.u32 s9, $0xF7A;
	s5 =	simm.s32 @!p2 $0x0  }
0x1d: {  	s5 =	simm.s32 @p1 $0x1;
	p0 =	seq.s32 s7, s2  }
0x1e: {  	s7 =	smul.u32 @!p0 $0xF7A, s2;
	p2 =	seq.s32 @!p0 s5, $0x0  }
0x1f: {  	s9 =	smul.u32 $0xF7A, s1;
	s8 =	simm.s32 @!p0 $0x1BF5;
	p2 =	por !p2, p0  }
0x20: {  	[sflag:s8] =	ssyncset.s32 @!p0 $0xFFFFF086;
	s6 =	sadd.s32 @!p0 s3, s7;
	s7 =	simm.s32 @!p0 $0x108  }
0x21: {  	s3 =	sadd.s32 s3, s9;
	s6 =	sadd.s32 @!p0 $0x88, s6;
	s7 =	simm.s32 @p2 $0x1082  }
0x22: {  	[simem:s7], [sflag:s8] =	dma.local @!p0 [hbm:s6], $0xF7A  }
0x23: {  	s9 =	sor.u32 $0xD0000000, s2;
	s6 =	simm.s32 $0x108;
	_ =	swait.ge @!p0 [sflag:s8], $0x0  }
0x24: {  	s3 =	sadd.s32 $0x88, s3;
	s6 =	simm.s32 @!p1 $0x1082;
	[sflag:s4] =	ssyncset.s32 $0xFFFFF086  }
0x25: {  	[simem:s6], [sflag:s4] =	dma.local [hbm:s3], $0xF7A  }
0x26: {  	[smem:$0x3F9E] =	sst s1;
	(tag) =	ssettag s2;
	_ =	strace s9  }
0x27: {  	s1 =	sld [smem:$0x3FAE]  }
0x28: {  	s2 =	sld [smem:$0x3FAF]  }
0x29: {  	s4 =	sld [smem:$0x3FB1]  }
0x2a: {  	p0 =	seq.s32 s5, $0x0;
	s5 =	sld [smem:$0x3FB2]  }
0x2b: {  	s6 =	sld [smem:$0x3FB3]  }
0x2c: {  	s7 =	sld [smem:$0x3FB4]  }
0x2d: {  	s3 =	simm.s32 $0x108;
	s8 =	sld [smem:$0x3FB5]  }
0x2e: {  	s3 =	simm.s32 @!p0 $0x1082;
	s9 =	sld [smem:$0x3FB6]  }
0x2f: {  	lr =	sadd.s32 s0, s3;
	s0 =	sld [smem:$0x3FAD]  }
0x30: {  	s3 =	sld [smem:$0x3FB0]  }
0x31: {  	[smem:$0x3FB9] =	sst s10  }
0x32: {  	s10 =	sld [smem:$0x3FB7];
	_ =	sdelay $0x3  }
0x33: {  	p0 =	seq.s32 s10, $0x1;
	s10 =	sld [smem:$0x3FB9];
	_ =	sdelay $0x3  }
0x34: {  	[smem:$0x3FB9] =	sst s10  }
0x35: {  	s10 =	sld [smem:$0x3FB8];
	_ =	sdelay $0x3  }
0x36: {  	p1 =	seq.s32 s10, $0x1;
	s10 =	sld [smem:$0x3FB9];
	_ =	sdelay $0x3  }
0x37: {  	[smem:$0x3FB9] =	sst s10  }
0x38: {  	s10 =	sld [smem:$0x3FBA]  }
0x39: {  	_ = 	snop;
	(pc) =	sbr.ind lr, $3  }
0x3a: {  	_ = 	snop  }
0x3b: {  	_ = 	snop  }
0x3c: {  	p2 =	seq.s32 s10, $0x1;
	s10 =	sld [smem:$0x3FB9]  }
0x3d: {  	_ =	shalt  }
0x3e: {  	_ =	shalt  }
0x3f: {  	_ =	shalt  }
0x40: {  	_ =	shalt  }
0x41: {  	_ =	shalt  }
0x42: {  	_ =	shalt  }
0x43: {  	_ =	shalt  }
0x44: {  	_ =	shalt  }
0x45: {  	_ =	shalt  }
0x46: {  	_ =	shalt  }
0x47: {  	_ =	shalt  }
0x48: {  	_ =	shalt  }
0x49: {  	_ =	shalt  }
0x4a: {  	_ =	shalt  }
0x4b: {  	_ =	shalt  }
0x4c: {  	_ =	shalt  }
0x4d: {  	_ =	shalt  }
0x4e: {  	_ =	shalt  }
0x4f: {  	_ =	shalt  }
0x50: {  	_ =	shalt  }
0x51: {  	_ =	shalt  }
0x52: {  	_ =	shalt  }
0x53: {  	_ =	shalt  }
0x54: {  	_ =	shalt  }
0x55: {  	_ =	shalt  }
0x56: {  	_ =	shalt  }
0x57: {  	_ =	shalt  }
0x58: {  	_ =	shalt  }
0x59: {  	_ =	shalt  }
0x5a: {  	_ =	shalt  }
0x5b: {  	_ =	shalt  }
0x5c: {  	_ =	shalt  }
0x5d: {  	_ =	shalt  }
0x5e: {  	_ =	shalt  }
0x5f: {  	_ =	shalt  }
0x60: {  	_ =	shalt  }
0x61: {  	_ =	shalt  }
0x62: {  	_ =	shalt  }
0x63: {  	_ =	shalt  }
0x64: {  	_ =	shalt  }
0x65: {  	_ =	shalt  }
0x66: {  	_ =	shalt  }
0x67: {  	_ =	shalt  }
0x68: {  	_ =	shalt  }
0x69: {  	_ =	shalt  }
0x6a: {  	_ =	shalt  }
0x6b: {  	_ =	shalt  }
0x6c: {  	_ =	shalt  }
0x6d: {  	_ =	shalt  }
0x6e: {  	_ =	shalt  }
0x6f: {  	_ =	shalt  }
0x70: {  	_ =	shalt  }
0x71: {  	_ =	shalt  }
0x72: {  	_ =	shalt  }
0x73: {  	_ =	shalt  }
0x74: {  	_ =	shalt  }
0x75: {  	_ =	shalt  }
0x76: {  	_ =	shalt  }
0x77: {  	_ =	shalt  }
0x78: {  	_ =	shalt  }
0x79: {  	_ =	shalt  }
0x7a: {  	_ =	shalt  }
0x7b: {  	_ =	shalt  }
0x7c: {  	_ =	shalt  }
0x7d: {  	_ =	shalt  }
0x7e: {  	_ =	shalt  }
0x7f: {  	_ =	shalt  }
0x80: {  	_ =	shalt  }
0x81: {  	_ =	shalt  }
0x82: {  	_ =	shalt  }
0x83: {  	_ =	shalt  }
0x84: {  	_ =	shalt  }
0x85: {  	_ =	shalt  }
0x86: {  	_ =	shalt  }
0x87: {  	_ =	shalt  }
.Lfunc_end0:
.L_simem_size_0:
called_computation_lowered:
.L_overlay_start_0:
0x88: {  	s2 =	sld [smem:$0x3FD9]  }
0x89: {  	s3 =	sld [smem:$0x3FFE];
	_ =	sdelay $0x1  }
0x8a: {  	s1 =	srdreg.scid  }
0x8b: {  	s0 =	sand.u32 $0x1, s1  }
0x8c: {  	s14 =	sshll.u32 s0, $0xA;
	s2 =	sadd.s32 s3, s2  }
0x8d: {  	s2 =	sadd.s32 s2, s14  }
0x8e: {  	[smem:$0x3FC5] =	sst s2  }
0x8f: {  	_ = 	snop  }
0x90: {  	s2 =	sld [smem:$0x3FD0];
	_ =	sdelay $0x2  }
0x91: {  	s15 =	simm.s32 $0xA;
	s4 =	simm.s32 $0x10  }
0x92: {  	[smem:s4], [sflag:s15] =	dma.local [hbm:s2], $0x1  }
0x93: {  	_ =	swait.eq [sflag:s15], $0x1  }
0x94: {  	[sflag:s15] =	ssyncset.done $0x0  }
0x95: {  	[sflag:s15] =	ssyncadd.s32 $0xFFFFFFFF  }
0x96: {  	s16 =	sld [smem:$0x11];
	(tm) =	ssettm $0x1  }
0x97: {  	s17 =	sld [smem:$0x3FFB];
	_ =	sdelay $0x3  }
0x98: {  	_ =	strace s17  }
0x99: {  	s3 =	sld [smem:$0x3FFC];
	_ =	sdelay $0x3  }
0x9a: {  	_ =	strace s3  }
0x9b: {  	s3 =	sld [smem:$0x3FFD];
	_ =	sdelay $0x3  }
0x9c: {  	_ =	strace s3  }
0x9d: {  	_ =	strace $0x8FFFFFFF  }
0x9e: {  	s18 =	sld [smem:$0x3FDB];
	_ =	sdelay $0x1  }
0x9f: {  	s19 =	simm.s32 $_scs_section_size  }
0xa0: {  	s5 =	simm.s32 $_size__tile_overlayer_lowered;
	s6 =	simm.s32 $_tile_overlayer_lowered  }
0xa1: {  	s22 =	simm.s32 $0x1BFF;
	s21 =	sshll.u32 s6, $0x1;
	s3 =	sadd.s32 s19, s18  }
0xa2: {  	s7 =	simm.s32 $0x0;
	s20 =	sshll.u32 s5, $0x1;
	s5 =	sadd.s32 s21, s3  }
0xa3: {  	[timem:s7], [sflag:s22] =	dma.local [hbm:s5], s20  }
0xa4: {  	_ =	swait.ge [sflag:s22], s20  }
0xa5: {  	s4 =	ssub.s32 $0x0, s20;
	[sflag:s22] =	ssyncset.done $0x0  }
0xa6: {  	[sflag:s22] =	ssyncadd.s32 s4;
	_ =	sdelay $0x1  }
0xa7: {  	s23 =	simm.s32 $0x1B8B  }
0xa8: {  	_ =	swait.ge [sflag:s23], $0x1  }
0xa9: {  	[sflag:s23] =	ssyncset.done $0x0  }
0xaa: {  	s25 =	simm.s32 $0x1B8E;
	s24 =	sld [smem:$0x3FFE];
	[sflag:s23] =	ssyncadd.s32 $0xFFFFFFFF  }
0xab: {  	s26 =	simm.s32 $execute0_lowered;
	[smem:$0x3FD2] =	sst s25  }
0xac: {  	s5 =	sshll.u32 s26, $0x1;
	_ =	strace $0x80000046;
	[dreg:$0x1] =	wrdreg $0xFFFFFFFF  }
0xad: {  	s28 =	simm.s32 $_size_execute0_lowered;
	s3 =	sadd.s32 s3, s5;
	[dreg:$0x0] =	wrdreg $0x0  }
0xae: {  	s5 =	sshll.u32 s28, $0x1;
	[dreg:$0x2] =	wrdreg s3  }
0xaf: {  	[dreg:$0x3] =	wrdreg s5  }
0xb0: {  	[dreg:$0x4] =	wrdreg $0xC0  }
0xb1: {  	_ =	task [dreg:s7], $0x5FFFF  }
0xb2: {  	[dreg:$0x1] =	wrdreg $0xFFFFFFFF  }
0xb3: {  	[dreg:$0x0] =	wrdreg $0x60  }
0xb4: {  	[dreg:$0x2] =	wrdreg s24  }
0xb5: {  	[dreg:$0x3] =	wrdreg s16  }
0xb6: {  	[dreg:$0x4] =	wrdreg $0x9  }
0xb7: {  	_ =	task.clear_ibuf [dreg:s7], $0x5FFFF;
	_ =	strace $0x90000046  }
0xb8: {  	s29 =	simm.s32 $0x9;
	_ =	strace $0x80000048  }
0xb9: {  	_ =	swait.ge [sflag:s29], $0x1  }
0xba: {  	[sflag:s29] =	ssyncadd.s32 $0xFFFFFFFF  }
0xbb: {  	_ =	strace $0x90000048  }
0xbc: {  	_ =	sfence  }
0xbd: {  	s30 =	sld [smem:$0x0];
	_ =	sdelay $0x2  }
0xbe: {  	s31 =	sshll.u32 s1, $0xD;
	s1 =	sshrl.u32 s1, $0x2  }
0xbf: {  	s3 =	sand.u32 $0x4000, s31;
	s1 =	sadd.s32 s1, s30  }
0xc0: {  	s0 =	sor.u32 s3, s0;
	s1 =	sshll.u32 s1, $0x11  }
0xc1: {  	s0 =	sor.u32 s1, s0  }
0xc2: {  	s0 =	sadd.s32 $0x8F2B, s0  }
0xc3: {  	[sflag:s0] =	ssyncadd.remote.s32 $0x1  }
0xc4: {  	_ =	sfence.sel $0xFFFF  }
0xc5: {  	[dreg:$0x0] =	wrdreg $0xFFFFFFFF;
	(pc) =	sbr.abs _section_cstart, $3  }
0xc6: {  	[dreg:$0x1] =	wrdreg $0xFFFFFFFF  }
0xc7: {  	_ =	task.clear_ibuf [dreg:s7], $0x2FFFF;
	_ =	strace $0x9FFFFFFF  }
0xc8: {  	(tm) =	ssettm $0x7FFFFFFF  }
0xc9: {  	_ =	shalt  }
tec
execute0_lowered:
.L_overlay_start_1:
0x0: {  	(tag) =	ssettag $0x1  }
0x1: {  	s1 =	srdreg.scid  }
0x2: {  	s0 =	stileid.u32;
	s30 =	sand.u32 $0x1, s1  }
0x3: {  	s31 =	sshll.u32 s0, $0xB;
	s3 =	sshll.u32 s30, $0xA  }
0x4: {  	s28 =	rddreg [dreg:$0x0];
	s22 =	sor.u32 s3, s31  }
0x5: {  	s2 =	rddreg [dreg:$0x1];
	s3 =	simm.s32 $0x0;
	s4 =	sshrl.u32 s22, $0x3  }
0x6: {  	s5 =	simm.s32 $0x2;
	[smem:$0x7FF] =	sst s3;
	s4 =	sadd.s32 s4, s28  }
0x7: {  	s1 =	rddreg [dreg:$0x2];
	_ =	strace $0x80000047;
	s4 =	sadd.s32 $0x1400, s4  }
0x8: {  	[tilespmem:s3], [sflag:$0x2] =	stream.linear.gather [hbm4b:s4+s3], $0x400, $0x38;
	[tilespmem:$0xAC00] =	vst v63  }
0x9: {  	_ =	swait.ge [sflag:s5], $0x400  }
0xa: {  	[sflag:s5] =	ssyncset.done $0x0  }
0xb: {  	s6 =	simm.s32 $0x80;
	s7 =	simm.s32 $0x400;
	[sflag:s5] =	ssyncadd.s32 $0xFFFFFC00  }
0xc: {  	[tilespmem:s7], [sflag:$0x1] =	stream.indirect.gather [hbm4b:s2+s6], $0x20, s3, s6, $0xb8;
	[tilespmem:$0xAC00] =	vst v63  }
0xd: {  	s8 =	simm.s32 $0x1400  }
0xe: {  	[tilespmem:s8], [sflag:$0x1] =	stream.indirect.gather [hbm4b:s2+s6], $0x20, s6, s6, $0xb8;
	[tilespmem:$0xAC00] =	vst v63  }
0xf: {  	s9 =	simm.s32 $0x100;
	s10 =	simm.s32 $0x2400  }
0x10: {  	[tilespmem:s10], [sflag:$0x1] =	stream.indirect.gather [hbm4b:s2+s6], $0x20, s9, s6, $0xb8;
	[tilespmem:$0xAC00] =	vst v63  }
0x11: {  	s11 =	simm.s32 $0x180;
	s12 =	simm.s32 $0x3400  }
0x12: {  	[tilespmem:s12], [sflag:$0x1] =	stream.indirect.gather [hbm4b:s2+s6], $0x20, s11, s6, $0xb8;
	[tilespmem:$0xAC00] =	vst v63  }
0x13: {  	s13 =	simm.s32 $0x200;
	s14 =	simm.s32 $0x4400  }
0x14: {  	[tilespmem:s14], [sflag:$0x1] =	stream.indirect.gather [hbm4b:s2+s6], $0x20, s13, s6, $0xb8;
	[tilespmem:$0xAC00] =	vst v63  }
0x15: {  	s15 =	simm.s32 $0x280;
	s16 =	simm.s32 $0x5400  }
0x16: {  	[tilespmem:s16], [sflag:$0x1] =	stream.indirect.gather [hbm4b:s2+s6], $0x20, s15, s6, $0xb8;
	[tilespmem:$0xAC00] =	vst v63  }
0x17: {  	s17 =	simm.s32 $0x300;
	s18 =	simm.s32 $0x6400  }
0x18: {  	[tilespmem:s18], [sflag:$0x1] =	stream.indirect.gather [hbm4b:s2+s6], $0x20, s17, s6, $0xb8;
	[tilespmem:$0xAC00] =	vst v63  }
0x19: {  	s19 =	simm.s32 $0x380;
	s21 =	simm.s32 $0x7400;
	s20 =	simm.s32 $0x1  }
0x1a: {  	[tilespmem:s21], [sflag:$0x1] =	stream.indirect.gather [hbm4b:s2+s6], $0x20, s19, s6, $0xb8;
	[tilespmem:$0xAC00] =	vst v63  }
0x1b: {  	_ =	swait.ge [sflag:s20], $0x1000  }
0x1c: {  	[sflag:s20] =	ssyncset.done $0x0  }
0x1d: {  	[sflag:s20] =	ssyncadd.s32 $0xFFFFF000  }
0x1e: {  	_ =	swait.ge [sflag:s20], $0x1000  }
0x1f: {  	[sflag:s20] =	ssyncset.done $0x0  }
0x20: {  	[sflag:s20] =	ssyncadd.s32 $0xFFFFF000  }
0x21: {  	_ =	swait.ge [sflag:s20], $0x1000  }
0x22: {  	[sflag:s20] =	ssyncset.done $0x0  }
0x23: {  	[sflag:s20] =	ssyncadd.s32 $0xFFFFF000  }
0x24: {  	_ =	swait.ge [sflag:s20], $0x1000  }
0x25: {  	[sflag:s20] =	ssyncset.done $0x0  }
0x26: {  	[sflag:s20] =	ssyncadd.s32 $0xFFFFF000  }
0x27: {  	_ =	swait.ge [sflag:s20], $0x1000  }
0x28: {  	[sflag:s20] =	ssyncset.done $0x0  }
0x29: {  	[sflag:s20] =	ssyncadd.s32 $0xFFFFF000  }
0x2a: {  	_ =	swait.ge [sflag:s20], $0x1000  }
0x2b: {  	[sflag:s20] =	ssyncset.done $0x0  }
0x2c: {  	[sflag:s20] =	ssyncadd.s32 $0xFFFFF000  }
0x2d: {  	_ =	swait.ge [sflag:s20], $0x1000  }
0x2e: {  	[sflag:s20] =	ssyncset.done $0x0  }
0x2f: {  	[sflag:s20] =	ssyncadd.s32 $0xFFFFF000  }
0x30: {  	s22 =	sshll.u32 s22, $0x2;
	_ =	swait.ge [sflag:s20], $0x1000  }
0x31: {  	s22 =	sadd.s32 s22, s28;
	[sflag:s20] =	ssyncset.done $0x0  }
0x32: {  	s22 =	sadd.s32 $0x2A00, s22;
	[sflag:s20] =	ssyncadd.s32 $0xFFFFF000  }
0x33: {  	[hbm4b:s22+s3] =	stream.linear.scatter [tilespmem:s7], [sflag:$0x2], $0x8000, $0x38;
	[tilespmem:$0xAC00] =	vst v63  }
0x34: {  	_ =	swait.ge [sflag:s5], $0x8000  }
0x35: {  	[sflag:s5] =	ssyncset.done $0x0  }
0x36: {  	s24 =	simm.s32 $0x8400;
	s23 =	sadd.s32 $0x2400, s28;
	[sflag:s5] =	ssyncadd.s32 $0xFFFF8000  }
0x37: {  	[tilespmem:s24], [sflag:$0x2] =	stream.linear.gather [hbm4b:s23+s3], $0x2000, $0x38;
	[tilespmem:$0xAC00] =	vst v63  }
0x38: {  	_ =	swait.ge [sflag:s5], $0x2000  }
0x39: {  	s26 =	simm.s32 $0xA400;
	[sflag:s5] =	ssyncset.done $0x0  }
0x3a: {  	s25 =	sadd.s32 $0x2800, s28;
	s29 =	sshll.u32 s30, $0xE;
	[sflag:s5] =	ssyncadd.s32 $0xFFFFE000  }
0x3b: {  	[tilespmem:s26], [sflag:$0x2] =	stream.linear.gather [hbm4b:s25+s3], $0x800, $0x38;
	[tilespmem:$0xAC00] =	vst v63  }
0x3c: {  	s28 =	sadd.s32 s29, s28;
	_ =	swait.ge [sflag:s5], $0x800  }
0x3d: {  	s29 =	sshll.u32 s0, $0xA;
	s28 =	sadd.s32 $0x22A00, s28;
	[sflag:s5] =	ssyncset.done $0x0  }
0x3e: {  	s29 =	sadd.s32 s29, s28;
	[sflag:s5] =	ssyncadd.s32 $0xFFFFF800  }
0x3f: {  	[hbm4b:s29+s3] =	stream.linear.scatter [tilespmem:s24], [sflag:$0x2], $0x2000, $0x38;
	[tilespmem:$0xAC00] =	vst v63  }
0x40: {  	_ =	swait.ge [sflag:s5], $0x2000  }
0x41: {  	[sflag:s5] =	ssyncset.done $0x0  }
0x42: {  	[sflag:s5] =	ssyncadd.s32 $0xFFFFE000  }
0x43: {  	[bflag:$0x0] =	sbarrier.arrive $0xFFFF  }
0x44: {  	[hbm4b:s28+s6] =	stream.indirect.scatter [tilespmem:s26], [sflag:$0x1], $0x10, s3, s6, $0xb8;
	[tilespmem:$0xAC00] =	vst v63  }
0x45: {  	_ = 	snop  }
0x46: {  	[hbm4b:s28+s6] =	stream.indirect.scatter [tilespmem:s26], [sflag:$0x1], $0x10, s6, s6, $0xb8;
	[tilespmem:$0xAC00] =	vst v63  }
0x47: {  	_ = 	snop  }
0x48: {  	[hbm4b:s28+s6] =	stream.indirect.scatter [tilespmem:s26], [sflag:$0x1], $0x10, s9, s6, $0xb8;
	[tilespmem:$0xAC00] =	vst v63  }
0x49: {  	_ = 	snop  }
0x4a: {  	[hbm4b:s28+s6] =	stream.indirect.scatter [tilespmem:s26], [sflag:$0x1], $0x10, s11, s6, $0xb8;
	[tilespmem:$0xAC00] =	vst v63  }
0x4b: {  	_ = 	snop  }
0x4c: {  	[hbm4b:s28+s6] =	stream.indirect.scatter [tilespmem:s26], [sflag:$0x1], $0x10, s13, s6, $0xb8;
	[tilespmem:$0xAC00] =	vst v63  }
0x4d: {  	_ = 	snop  }
0x4e: {  	[hbm4b:s28+s6] =	stream.indirect.scatter [tilespmem:s26], [sflag:$0x1], $0x10, s15, s6, $0xb8;
	[tilespmem:$0xAC00] =	vst v63  }
0x4f: {  	_ = 	snop  }
0x50: {  	[hbm4b:s28+s6] =	stream.indirect.scatter [tilespmem:s26], [sflag:$0x1], $0x10, s17, s6, $0xb8;
	[tilespmem:$0xAC00] =	vst v63  }
0x51: {  	_ = 	snop  }
0x52: {  	[hbm4b:s28+s6] =	stream.indirect.scatter [tilespmem:s26], [sflag:$0x1], $0x10, s19, s6, $0xb8;
	[tilespmem:$0xAC00] =	vst v63  }
0x53: {  	_ =	swait.ge [sflag:s20], $0x800  }
0x54: {  	[sflag:s20] =	ssyncset.done $0x0  }
0x55: {  	[sflag:s20] =	ssyncadd.s32 $0xFFFFF800  }
0x56: {  	_ =	swait.ge [sflag:s20], $0x800  }
0x57: {  	[sflag:s20] =	ssyncset.done $0x0  }
0x58: {  	[sflag:s20] =	ssyncadd.s32 $0xFFFFF800  }
0x59: {  	_ =	swait.ge [sflag:s20], $0x800  }
0x5a: {  	[sflag:s20] =	ssyncset.done $0x0  }
0x5b: {  	[sflag:s20] =	ssyncadd.s32 $0xFFFFF800  }
0x5c: {  	_ =	swait.ge [sflag:s20], $0x800  }
0x5d: {  	[sflag:s20] =	ssyncset.done $0x0  }
0x5e: {  	[sflag:s20] =	ssyncadd.s32 $0xFFFFF800  }
0x5f: {  	_ =	swait.ge [sflag:s20], $0x800  }
0x60: {  	s30 =	ssub.s32 $0x2, s30;
	[sflag:s20] =	ssyncset.done $0x0  }
0x61: {  	s31 =	sshrl.u32 s30, $0x1;
	[sflag:s20] =	ssyncadd.s32 $0xFFFFF800  }
0x62: {  	s30 =	ssub.s32 s30, s31;
	_ =	swait.ge [sflag:s20], $0x800  }
0x63: {  	s30 =	smax.u32 s30, $0x1;
	[sflag:s20] =	ssyncset.done $0x0  }
0x64: {  	p0 =	sne.s32 s30, $0x1;
	[sflag:s20] =	ssyncadd.s32 $0xFFFFF800  }
.Ltmp0:
0x65: {  	_ =	swait.ge [sflag:s20], $0x800;
	(pc) =	sbr.rel @!p0 .LBB2_2-.Ltmp0, $4  }
0x66: {  	[sflag:s20] =	ssyncset.done $0x0  }
0x67: {  	[sflag:s20] =	ssyncadd.s32 $0xFFFFF800  }
0x68: {  	_ =	swait.ge [sflag:s20], $0x800  }
0x69: {  	s30 =	sadd.s32 $0xFFFFFFFF, s30;
	[sflag:s20] =	ssyncset.done $0x0  }
.LBB2_1:
0x6a: {  	p0 =	sne.s32 s30, $0x1;
	s30 =	sadd.s32 $0xFFFFFFFF, s30;
	[sflag:s20] =	ssyncadd.s32 $0xFFFFF800  }
0x6b: {  	[tilespmem:s3], [sflag:$0x2] =	stream.linear.gather [hbm4b:s4+s3], $0x400, $0x38;
	[tilespmem:$0xAC00] =	vst v63  }
0x6c: {  	_ =	swait.ge [sflag:s5], $0x400  }
0x6d: {  	[sflag:s5] =	ssyncset.done $0x0  }
0x6e: {  	[sflag:s5] =	ssyncadd.s32 $0xFFFFFC00  }
0x6f: {  	[tilespmem:s7], [sflag:$0x1] =	stream.indirect.gather [hbm4b:s2+s6], $0x20, s3, s6, $0xb8;
	[tilespmem:$0xAC00] =	vst v63  }
0x70: {  	_ = 	snop  }
0x71: {  	[tilespmem:s8], [sflag:$0x1] =	stream.indirect.gather [hbm4b:s2+s6], $0x20, s6, s6, $0xb8;
	[tilespmem:$0xAC00] =	vst v63  }
0x72: {  	_ = 	snop  }
0x73: {  	[tilespmem:s10], [sflag:$0x1] =	stream.indirect.gather [hbm4b:s2+s6], $0x20, s9, s6, $0xb8;
	[tilespmem:$0xAC00] =	vst v63  }
0x74: {  	_ = 	snop  }
0x75: {  	[tilespmem:s12], [sflag:$0x1] =	stream.indirect.gather [hbm4b:s2+s6], $0x20, s11, s6, $0xb8;
	[tilespmem:$0xAC00] =	vst v63  }
0x76: {  	_ = 	snop  }
0x77: {  	[tilespmem:s14], [sflag:$0x1] =	stream.indirect.gather [hbm4b:s2+s6], $0x20, s13, s6, $0xb8;
	[tilespmem:$0xAC00] =	vst v63  }
0x78: {  	_ = 	snop  }
0x79: {  	[tilespmem:s16], [sflag:$0x1] =	stream.indirect.gather [hbm4b:s2+s6], $0x20, s15, s6, $0xb8;
	[tilespmem:$0xAC00] =	vst v63  }
0x7a: {  	_ = 	snop  }
0x7b: {  	[tilespmem:s18], [sflag:$0x1] =	stream.indirect.gather [hbm4b:s2+s6], $0x20, s17, s6, $0xb8;
	[tilespmem:$0xAC00] =	vst v63  }
0x7c: {  	_ = 	snop  }
0x7d: {  	[tilespmem:s21], [sflag:$0x1] =	stream.indirect.gather [hbm4b:s2+s6], $0x20, s19, s6, $0xb8;
	[tilespmem:$0xAC00] =	vst v63  }
0x7e: {  	_ =	swait.ge [sflag:s20], $0x1000  }
0x7f: {  	[sflag:s20] =	ssyncset.done $0x0  }
0x80: {  	[sflag:s20] =	ssyncadd.s32 $0xFFFFF000  }
0x81: {  	_ =	swait.ge [sflag:s20], $0x1000  }
0x82: {  	[sflag:s20] =	ssyncset.done $0x0  }
0x83: {  	[sflag:s20] =	ssyncadd.s32 $0xFFFFF000  }
0x84: {  	_ =	swait.ge [sflag:s20], $0x1000  }
0x85: {  	[sflag:s20] =	ssyncset.done $0x0  }
0x86: {  	[sflag:s20] =	ssyncadd.s32 $0xFFFFF000  }
0x87: {  	_ =	swait.ge [sflag:s20], $0x1000  }
0x88: {  	[sflag:s20] =	ssyncset.done $0x0  }
0x89: {  	[sflag:s20] =	ssyncadd.s32 $0xFFFFF000  }
0x8a: {  	_ =	swait.ge [sflag:s20], $0x1000  }
0x8b: {  	[sflag:s20] =	ssyncset.done $0x0  }
0x8c: {  	[sflag:s20] =	ssyncadd.s32 $0xFFFFF000  }
0x8d: {  	_ =	swait.ge [sflag:s20], $0x1000  }
0x8e: {  	[sflag:s20] =	ssyncset.done $0x0  }
0x8f: {  	[sflag:s20] =	ssyncadd.s32 $0xFFFFF000  }
0x90: {  	_ =	swait.ge [sflag:s20], $0x1000  }
0x91: {  	[sflag:s20] =	ssyncset.done $0x0  }
0x92: {  	[sflag:s20] =	ssyncadd.s32 $0xFFFFF000  }
0x93: {  	_ =	swait.ge [sflag:s20], $0x1000  }
0x94: {  	[sflag:s20] =	ssyncset.done $0x0  }
0x95: {  	[sflag:s20] =	ssyncadd.s32 $0xFFFFF000  }
0x96: {  	[hbm4b:s22+s3] =	stream.linear.scatter [tilespmem:s7], [sflag:$0x2], $0x8000, $0x38;
	[tilespmem:$0xAC00] =	vst v63  }
0x97: {  	_ =	swait.ge [sflag:s5], $0x8000  }
0x98: {  	[sflag:s5] =	ssyncset.done $0x0  }
0x99: {  	[sflag:s5] =	ssyncadd.s32 $0xFFFF8000  }
0x9a: {  	[tilespmem:s24], [sflag:$0x2] =	stream.linear.gather [hbm4b:s23+s3], $0x2000, $0x38;
	[tilespmem:$0xAC00] =	vst v63  }
0x9b: {  	_ =	swait.ge [sflag:s5], $0x2000  }
0x9c: {  	[sflag:s5] =	ssyncset.done $0x0  }
0x9d: {  	[sflag:s5] =	ssyncadd.s32 $0xFFFFE000  }
0x9e: {  	[tilespmem:s26], [sflag:$0x2] =	stream.linear.gather [hbm4b:s25+s3], $0x800, $0x38;
	[tilespmem:$0xAC00] =	vst v63  }
0x9f: {  	_ =	swait.ge [sflag:s5], $0x800  }
0xa0: {  	[sflag:s5] =	ssyncset.done $0x0  }
0xa1: {  	[sflag:s5] =	ssyncadd.s32 $0xFFFFF800  }
0xa2: {  	[hbm4b:s29+s3] =	stream.linear.scatter [tilespmem:s24], [sflag:$0x2], $0x2000, $0x38;
	[tilespmem:$0xAC00] =	vst v63  }
0xa3: {  	_ =	swait.ge [sflag:s5], $0x2000  }
0xa4: {  	[sflag:s5] =	ssyncset.done $0x0  }
0xa5: {  	[sflag:s5] =	ssyncadd.s32 $0xFFFFE000  }
0xa6: {  	[bflag:$0x0] =	sbarrier.arrive $0xFFFF  }
0xa7: {  	[hbm4b:s28+s6] =	stream.indirect.scatter [tilespmem:s26], [sflag:$0x1], $0x10, s3, s6, $0xb8;
	[tilespmem:$0xAC00] =	vst v63  }
0xa8: {  	_ = 	snop  }
0xa9: {  	[hbm4b:s28+s6] =	stream.indirect.scatter [tilespmem:s26], [sflag:$0x1], $0x10, s6, s6, $0xb8;
	[tilespmem:$0xAC00] =	vst v63  }
0xaa: {  	_ = 	snop  }
0xab: {  	[hbm4b:s28+s6] =	stream.indirect.scatter [tilespmem:s26], [sflag:$0x1], $0x10, s9, s6, $0xb8;
	[tilespmem:$0xAC00] =	vst v63  }
0xac: {  	_ = 	snop  }
0xad: {  	[hbm4b:s28+s6] =	stream.indirect.scatter [tilespmem:s26], [sflag:$0x1], $0x10, s11, s6, $0xb8;
	[tilespmem:$0xAC00] =	vst v63  }
0xae: {  	_ = 	snop  }
0xaf: {  	[hbm4b:s28+s6] =	stream.indirect.scatter [tilespmem:s26], [sflag:$0x1], $0x10, s13, s6, $0xb8;
	[tilespmem:$0xAC00] =	vst v63  }
0xb0: {  	_ = 	snop  }
0xb1: {  	[hbm4b:s28+s6] =	stream.indirect.scatter [tilespmem:s26], [sflag:$0x1], $0x10, s15, s6, $0xb8;
	[tilespmem:$0xAC00] =	vst v63  }
0xb2: {  	_ = 	snop  }
0xb3: {  	[hbm4b:s28+s6] =	stream.indirect.scatter [tilespmem:s26], [sflag:$0x1], $0x10, s17, s6, $0xb8;
	[tilespmem:$0xAC00] =	vst v63  }
0xb4: {  	_ = 	snop  }
0xb5: {  	[hbm4b:s28+s6] =	stream.indirect.scatter [tilespmem:s26], [sflag:$0x1], $0x10, s19, s6, $0xb8;
	[tilespmem:$0xAC00] =	vst v63  }
0xb6: {  	_ =	swait.ge [sflag:s20], $0x800  }
0xb7: {  	[sflag:s20] =	ssyncset.done $0x0  }
0xb8: {  	[sflag:s20] =	ssyncadd.s32 $0xFFFFF800  }
0xb9: {  	_ =	swait.ge [sflag:s20], $0x800  }
0xba: {  	[sflag:s20] =	ssyncset.done $0x0  }
0xbb: {  	[sflag:s20] =	ssyncadd.s32 $0xFFFFF800  }
0xbc: {  	_ =	swait.ge [sflag:s20], $0x800  }
0xbd: {  	[sflag:s20] =	ssyncset.done $0x0  }
0xbe: {  	[sflag:s20] =	ssyncadd.s32 $0xFFFFF800  }
0xbf: {  	_ =	swait.ge [sflag:s20], $0x800  }
0xc0: {  	[sflag:s20] =	ssyncset.done $0x0  }
0xc1: {  	[sflag:s20] =	ssyncadd.s32 $0xFFFFF800  }
0xc2: {  	_ =	swait.ge [sflag:s20], $0x800  }
0xc3: {  	[sflag:s20] =	ssyncset.done $0x0  }
0xc4: {  	[sflag:s20] =	ssyncadd.s32 $0xFFFFF800  }
0xc5: {  	_ =	swait.ge [sflag:s20], $0x800  }
0xc6: {  	[sflag:s20] =	ssyncset.done $0x0  }
0xc7: {  	[sflag:s20] =	ssyncadd.s32 $0xFFFFF800  }
.Ltmp1:
0xc8: {  	_ =	swait.ge [sflag:s20], $0x800;
	(pc) =	sbr.rel @p0 .LBB2_1-.Ltmp1, $4  }
0xc9: {  	[sflag:s20] =	ssyncset.done $0x0  }
0xca: {  	[sflag:s20] =	ssyncadd.s32 $0xFFFFF800  }
0xcb: {  	_ =	swait.ge [sflag:s20], $0x800  }
0xcc: {  	[sflag:s20] =	ssyncset.done $0x0  }
.LBB2_2:
0xcd: {  	[sflag:s20] =	ssyncadd.s32 $0xFFFFF800  }
0xce: {  	_ =	sfence.sel $0x180000  }
0xcf: {  	[bflag:$0x0] =	sbarrier.arrive $0xFFFF  }
0xd0: {  	p0 =	sne.s32 s0, $0x0;
	_ =	strace $0x90000047  }
0xd1: {  	s0 =	sadd.s32 @!p0 $0x100000, s1;
	[bflag:$0x2] =	sbarrier.arrive $0xFFFF  }
0xd2: {  	[sflag:s0] =	ssyncadd.tile.s32 @!p0 $0x1;
	_ =	shalt  }
.Lfunc_end2:
_tile_overlayer_lowered:
.L_overlay_start_2:
0xd3: {  	(tag) =	ssettag $0x2  }
0xd4: {  	s0 =	rddreg [dreg:$0x0];
	s2 =	stileid.u32  }
0xd5: {  	s1 =	rddreg [dreg:$0x1];
	p0 =	sne.s32 s2, $0x0  }
0xd6: {  	s3 =	rddreg [dreg:$0x2];
	[bflag:$0x3] =	sbarrier.arrive $0xFFFF;
	s2 =	simm.s32 @!p0 $0x1C02  }
0xd7: {  	[timem:s3], [sflag:s2] =	dma.local @!p0 [hbm:s0], s1  }
0xd8: {  	s0 =	simm.s32 @!p0 $0x2  }
0xd9: {  	_ =	swait.ge @!p0 [sflag:s0], s1  }
0xda: {  	s1 =	ssub.s32 @!p0 $0x0, s1;
	[sflag:s0] =	ssyncset.done @!p0 $0x0  }
0xdb: {  	[sflag:s0] =	ssyncadd.s32 @!p0 s1  }
0xdc: {  	[bflag:$0x3] =	sbarrier.arrive $0xFFFF  }
0xdd: {  	_ =	shalt  }

</sc_bundles>
